<compile_context>
chip_gen: v7x
topology: tpu7x:2x2x1
jax: 0.10.2.dev20260603
libtpu: 0.0.44.dev20260713+nightly
codegen_flags: <defaults>
</compile_context>

<pallas_src>
import functools

import jax
import jax.numpy as jnp
from jax import lax
from jax.experimental import pallas as pl
from jax.experimental.pallas import tpu as pltpu
from jax.experimental.pallas import tpu_sc as plsc

_CHUNK = 256
_NBUF = 5
_LAG = 2


def _make_gather(num_rows: int, vocab: int, dim: int):
    info = plsc.get_sparse_core_info()
    nc, ns = info.num_cores, info.num_subcores
    nw = nc * ns
    assert num_rows % (nw * _CHUNK * _NBUF) == 0
    per_w = num_rows // nw
    n_chunks = per_w // _CHUNK
    n_outer = n_chunks // _NBUF
    half_groups = n_outer // 2

    mesh = plsc.VectorSubcoreMesh(core_axis_name="c", subcore_axis_name="s")

    @functools.partial(
        pl.kernel,
        mesh=mesh,
        compiler_params=pltpu.CompilerParams(use_tc_tiling_on_sc=False),
        out_type=jax.ShapeDtypeStruct((num_rows, dim), jnp.float32),
        scratch_types=[
            pltpu.VMEM((n_chunks, _CHUNK), jnp.int32),
            pltpu.VMEM((_NBUF, _CHUNK, dim), jnp.float32),
            pltpu.SemaphoreType.DMA((_NBUF,)),
            pltpu.SemaphoreType.DMA((_NBUF,)),
            pltpu.SemaphoreType.DMA,
        ],
    )
    def emb(idx_hbm, tab_hbm, out_hbm, idx_v, rows_v, gsem, wsem, isem):
        wid = lax.axis_index("s") * nc + lax.axis_index("c")
        base = wid * per_w
        half = half_groups * _NBUF

        def gather(c, b):
            return pltpu.make_async_copy(
                tab_hbm.at[idx_v.at[c]], rows_v.at[b], gsem.at[b]
            )

        def writeback(c, b):
            return pltpu.make_async_copy(
                rows_v.at[b], out_hbm.at[pl.ds(base + c * _CHUNK, _CHUNK)],
                wsem.at[b],
            )

        idx_half1 = pltpu.make_async_copy(
            idx_hbm.at[wid, pl.ds(0, half)], idx_v.at[pl.ds(0, half)], isem
        )
        idx_half2 = pltpu.make_async_copy(
            idx_hbm.at[wid, pl.ds(half, n_chunks - half)],
            idx_v.at[pl.ds(half, n_chunks - half)],
            isem,
        )
        idx_half1.start()
        idx_half2.start()
        idx_half1.wait()

        def outer(g, carry):
            @pl.when(g == half_groups)
            def _wait_half2():
                idx_half2.wait()

            for b in range(_NBUF):
                c = g * _NBUF + b

                @pl.when(c >= _NBUF)
                def _wait_wb():
                    pltpu.make_async_copy(
                        rows_v.at[b], out_hbm.at[pl.ds(base, _CHUNK)],
                        wsem.at[b],
                    ).wait()

                gather(c, b).start()

                bd = (b + _NBUF - _LAG) % _NBUF
                cd = c - _LAG

                @pl.when(cd >= 0)
                def _drain():
                    pltpu.make_async_copy(
                        tab_hbm.at[idx_v.at[0]], rows_v.at[bd], gsem.at[bd]
                    ).wait()
                    writeback(cd, bd).start()
            return carry

        lax.fori_loop(0, n_outer, outer, 0)

        for t in range(_LAG):
            c = n_chunks - _LAG + t
            b = c % _NBUF
            pltpu.make_async_copy(
                tab_hbm.at[idx_v.at[0]], rows_v.at[b], gsem.at[b]
            ).wait()
            writeback(c, b).start()
        for b in range(_NBUF):
            pltpu.make_async_copy(
                rows_v.at[b], out_hbm.at[pl.ds(base, _CHUNK)], wsem.at[b]
            ).wait()

    return emb


def kernel(token_ids, embedding_matrix):
    b, h = token_ids.shape
    v, d = embedding_matrix.shape
    info = plsc.get_sparse_core_info()
    nw = info.num_cores * info.num_subcores
    flat = token_ids.reshape(nw, (b * h) // (nw * _CHUNK), _CHUNK).astype(jnp.int32)
    emb = _make_gather(b * h, v, d)
    out = emb(flat, embedding_matrix)
    return out.reshape(b, h, d)

# --- scband reference (transcript-rebuilt; emitter-appended) ---
"""Pipeline reference for scband-embedding-89756226552631 (READ-ONLY COPY).

The authoritative reference and input builder live on the scoring server;
editing this copy changes nothing except your own understanding.
"""

import jax, jax.numpy as jnp
import numpy as np

NUM_EMBEDDINGS = 1000000
EMBEDDING_DIM = 64
BATCH = 16384
HIST = 50

def setup_inputs(seed: int = 0) -> dict:
    key = jax.random.key(seed)
    k_idx, k_tab = jax.random.split(key)
    token_ids = jax.random.randint(k_idx, (BATCH, HIST), 0, NUM_EMBEDDINGS, dtype=jnp.int64 if jax.config.jax_enable_x64 else jnp.int32)
    # trunc_normal_(mean=0, std=2, a=-3, b=-? a=-3, b=3) -> truncated at +/-1.5 std, scaled by 2
    embedding_matrix = jax.random.truncated_normal(k_tab, -1.5, 1.5, (NUM_EMBEDDINGS, EMBEDDING_DIM), dtype=jnp.float32) * 2.0
    return {"token_ids": token_ids, "embedding_matrix": embedding_matrix}

def reference(token_ids, embedding_matrix):
    # Faithful to: return self.embedding_matrix[token_ids]
    return jnp.take(embedding_matrix, token_ids, axis=0)

if __name__ == "__main__":
    import jax
    _d = setup_inputs()
    print(jax.jit(kernel)(*tuple(_d.values())))

</pallas_src>

<mosaic_0001>
#map = affine_map<(d0, d1) -> (0, 0, 0)>
#map1 = affine_map<(d0, d1) -> (0, 0)>
module attributes {stable_mosaic.version = 14 : i64} {
  func.func @emb(%arg0: i32, %arg1: i32, %arg2: memref<32x100x256xi32, #tpu.memory_space<hbm>>, %arg3: memref<1000000x64xf32, #tpu.memory_space<hbm>>, %arg4: memref<819200x64xf32, #tpu.memory_space<hbm>>, %arg5: memref<100x256xi32, #tpu.memory_space<vmem>>, %arg6: memref<5x256x64xf32, #tpu.memory_space<vmem>>, %arg7: memref<5x!tpu.dma_semaphore, #tpu.memory_space<semaphore_mem>>, %arg8: memref<5x!tpu.dma_semaphore, #tpu.memory_space<semaphore_mem>>, %arg9: memref<!tpu.dma_semaphore, #tpu.memory_space<semaphore_mem>>) attributes {dimension_semantics = [#tpu.dimension_semantics<core_parallel>, #tpu.dimension_semantics<subcore_parallel>], iteration_bounds = array<i64: 2, 16>, scalar_prefetch = 0 : i64, scratch_operands = 5 : i64, tpu.core_type = #tpu.core_type<sc_vector_subcore>, window_params = [{transform_indices = #map}, {transform_indices = #map1}, {transform_indices = #map1}]} {
    %mul3A = arith.constant 2 : i32
    %mul3A_0 = arith.muli %arg1, %mul3A : i32
    %add3A = arith.addi %mul3A_0, %arg0 : i32
    %mul3A_1 = arith.constant 25600 : i32
    %mul3A_2 = arith.muli %add3A, %mul3A_1 : i32
    %dma_start3A = arith.constant 0 : i32
    %dma_start3A_3 = arith.constant 0 : i32
    %dma_start3A_4 = tpu.memref_slice %arg5[%dma_start3A, %dma_start3A_3] : memref<100x256xi32, #tpu.memory_space<vmem>> -> memref<50x256xi32, #tpu.memory_space<vmem>>
    %dma_start3A_5 = arith.constant 0 : i32
    %dma_start3A_6 = arith.constant 0 : i32
    %dma_start3A_7 = tpu.memref_slice %arg2[%add3A, %dma_start3A_5, %dma_start3A_6] : memref<32x100x256xi32, #tpu.memory_space<hbm>> -> memref<1x50x256xi32, #tpu.memory_space<hbm>>
    %dma_start3A_8 = tpu.memref_squeeze %dma_start3A_7 : memref<1x50x256xi32, #tpu.memory_space<hbm>> -> memref<50x256xi32, #tpu.memory_space<hbm>>
    %dma_start3A_9 = arith.constant 0 : i32
    %dma_start3A_10 = arith.constant 0 : i32
    %dma_start3A_11 = tpu.memref_slice %arg5[%dma_start3A_9, %dma_start3A_10] : memref<100x256xi32, #tpu.memory_space<vmem>> -> memref<50x256xi32, #tpu.memory_space<vmem>>
    %dma_start3A_12 = arith.constant 0 : i32
    %dma_start3A_13 = arith.constant 0 : i32
    %dma_start3A_14 = tpu.memref_slice %arg2[%add3A, %dma_start3A_12, %dma_start3A_13] : memref<32x100x256xi32, #tpu.memory_space<hbm>> -> memref<1x50x256xi32, #tpu.memory_space<hbm>>
    %dma_start3A_15 = tpu.memref_squeeze %dma_start3A_14 : memref<1x50x256xi32, #tpu.memory_space<hbm>> -> memref<50x256xi32, #tpu.memory_space<hbm>>
    tpu.enqueue_dma source(%dma_start3A_15 : memref<50x256xi32, #tpu.memory_space<hbm>>) target(%dma_start3A_11 : memref<50x256xi32, #tpu.memory_space<vmem>>) target_semaphore(%arg9 : memref<!tpu.dma_semaphore, #tpu.memory_space<semaphore_mem>>)
    %dma_start3A_16 = arith.constant 50 : i32
    %dma_start3A_17 = arith.constant 0 : i32
    %dma_start3A_18 = tpu.memref_slice %arg5[%dma_start3A_16, %dma_start3A_17] : memref<100x256xi32, #tpu.memory_space<vmem>> -> memref<50x256xi32, #tpu.memory_space<vmem>>
    %dma_start3A_19 = arith.constant 50 : i32
    %dma_start3A_20 = arith.constant 0 : i32
    %dma_start3A_21 = tpu.memref_slice %arg2[%add3A, %dma_start3A_19, %dma_start3A_20] : memref<32x100x256xi32, #tpu.memory_space<hbm>> -> memref<1x50x256xi32, #tpu.memory_space<hbm>>
    %dma_start3A_22 = tpu.memref_squeeze %dma_start3A_21 : memref<1x50x256xi32, #tpu.memory_space<hbm>> -> memref<50x256xi32, #tpu.memory_space<hbm>>
    %dma_start3A_23 = arith.constant 50 : i32
    %dma_start3A_24 = arith.constant 0 : i32
    %dma_start3A_25 = tpu.memref_slice %arg5[%dma_start3A_23, %dma_start3A_24] : memref<100x256xi32, #tpu.memory_space<vmem>> -> memref<50x256xi32, #tpu.memory_space<vmem>>
    %dma_start3A_26 = arith.constant 50 : i32
    %dma_start3A_27 = arith.constant 0 : i32
    %dma_start3A_28 = tpu.memref_slice %arg2[%add3A, %dma_start3A_26, %dma_start3A_27] : memref<32x100x256xi32, #tpu.memory_space<hbm>> -> memref<1x50x256xi32, #tpu.memory_space<hbm>>
    %dma_start3A_29 = tpu.memref_squeeze %dma_start3A_28 : memref<1x50x256xi32, #tpu.memory_space<hbm>> -> memref<50x256xi32, #tpu.memory_space<hbm>>
    tpu.enqueue_dma source(%dma_start3A_29 : memref<50x256xi32, #tpu.memory_space<hbm>>) target(%dma_start3A_25 : memref<50x256xi32, #tpu.memory_space<vmem>>) target_semaphore(%arg9 : memref<!tpu.dma_semaphore, #tpu.memory_space<semaphore_mem>>)
    %dma_wait3A = arith.constant 0 : i32
    %dma_wait3A_30 = arith.constant 0 : i32
    %dma_wait3A_31 = tpu.memref_slice %arg5[%dma_wait3A, %dma_wait3A_30] : memref<100x256xi32, #tpu.memory_space<vmem>> -> memref<50x256xi32, #tpu.memory_space<vmem>>
    %dma_wait3A_32 = arith.constant 0 : i32
    %dma_wait3A_33 = arith.constant 0 : i32
    %dma_wait3A_34 = tpu.memref_slice %arg2[%add3A, %dma_wait3A_32, %dma_wait3A_33] : memref<32x100x256xi32, #tpu.memory_space<hbm>> -> memref<1x50x256xi32, #tpu.memory_space<hbm>>
    %dma_wait3A_35 = tpu.memref_squeeze %dma_wait3A_34 : memref<1x50x256xi32, #tpu.memory_space<hbm>> -> memref<50x256xi32, #tpu.memory_space<hbm>>
    %dma_wait3A_36 = arith.constant 0 : i32
    %dma_wait3A_37 = arith.constant 0 : i32
    %dma_wait3A_38 = tpu.memref_slice %arg5[%dma_wait3A_36, %dma_wait3A_37] : memref<100x256xi32, #tpu.memory_space<vmem>> -> memref<50x256xi32, #tpu.memory_space<vmem>>
    %dma_wait3A_39 = arith.constant 0 : i32
    %dma_wait3A_40 = arith.constant 0 : i32
    %dma_wait3A_41 = tpu.memref_slice %arg2[%add3A, %dma_wait3A_39, %dma_wait3A_40] : memref<32x100x256xi32, #tpu.memory_space<hbm>> -> memref<1x50x256xi32, #tpu.memory_space<hbm>>
    %dma_wait3A_42 = tpu.memref_squeeze %dma_wait3A_41 : memref<1x50x256xi32, #tpu.memory_space<hbm>> -> memref<50x256xi32, #tpu.memory_space<hbm>>
    tpu.wait_dma2 semaphore(%arg9 : memref<!tpu.dma_semaphore, #tpu.memory_space<semaphore_mem>>) src(%dma_wait3A_42 : memref<50x256xi32, #tpu.memory_space<hbm>>) dst(%dma_wait3A_38 : memref<50x256xi32, #tpu.memory_space<vmem>>)
    %scan3A = arith.constant 0 : i32
    %scan3A_43 = arith.constant 0 : i32
    %scan3A_44 = arith.constant 20 : i32
    %scan3A_45 = arith.addi %scan3A_43, %scan3A_44 : i32
    %scan3A_46 = arith.constant 1 : i32
    scf.for %scan3A_194 = %scan3A_43 to %scan3A_45 step %scan3A_46  : i32 {
      %eq3A = arith.constant 10 : i32
      %eq3A_195 = arith.cmpi eq, %scan3A_194, %eq3A : i32
      %convert_element_type3A = arith.extui %eq3A_195 : i1 to i32
      %cond3A = arith.constant 0 : i32
      %cond3A_196 = arith.cmpi ne, %convert_element_type3A, %cond3A : i32
      scf.if %cond3A_196 {
        %dma_wait3A_345 = arith.constant 50 : i32
        %dma_wait3A_346 = arith.constant 0 : i32
        %dma_wait3A_347 = tpu.memref_slice %arg5[%dma_wait3A_345, %dma_wait3A_346] : memref<100x256xi32, #tpu.memory_space<vmem>> -> memref<50x256xi32, #tpu.memory_space<vmem>>
        %dma_wait3A_348 = arith.constant 50 : i32
        %dma_wait3A_349 = arith.constant 0 : i32
        %dma_wait3A_350 = tpu.memref_slice %arg2[%add3A, %dma_wait3A_348, %dma_wait3A_349] : memref<32x100x256xi32, #tpu.memory_space<hbm>> -> memref<1x50x256xi32, #tpu.memory_space<hbm>>
        %dma_wait3A_351 = tpu.memref_squeeze %dma_wait3A_350 : memref<1x50x256xi32, #tpu.memory_space<hbm>> -> memref<50x256xi32, #tpu.memory_space<hbm>>
        %dma_wait3A_352 = arith.constant 50 : i32
        %dma_wait3A_353 = arith.constant 0 : i32
        %dma_wait3A_354 = tpu.memref_slice %arg5[%dma_wait3A_352, %dma_wait3A_353] : memref<100x256xi32, #tpu.memory_space<vmem>> -> memref<50x256xi32, #tpu.memory_space<vmem>>
        %dma_wait3A_355 = arith.constant 50 : i32
        %dma_wait3A_356 = arith.constant 0 : i32
        %dma_wait3A_357 = tpu.memref_slice %arg2[%add3A, %dma_wait3A_355, %dma_wait3A_356] : memref<32x100x256xi32, #tpu.memory_space<hbm>> -> memref<1x50x256xi32, #tpu.memory_space<hbm>>
        %dma_wait3A_358 = tpu.memref_squeeze %dma_wait3A_357 : memref<1x50x256xi32, #tpu.memory_space<hbm>> -> memref<50x256xi32, #tpu.memory_space<hbm>>
        tpu.wait_dma2 semaphore(%arg9 : memref<!tpu.dma_semaphore, #tpu.memory_space<semaphore_mem>>) src(%dma_wait3A_358 : memref<50x256xi32, #tpu.memory_space<hbm>>) dst(%dma_wait3A_354 : memref<50x256xi32, #tpu.memory_space<vmem>>)
      } else {
      }
      %mul3A_197 = arith.constant 5 : i32
      %mul3A_198 = arith.muli %scan3A_194, %mul3A_197 : i32
      %add3A_199 = arith.constant 0 : i32
      %add3A_200 = arith.addi %mul3A_198, %add3A_199 : i32
      %ge3A = arith.constant 5 : i32
      %ge3A_201 = arith.cmpi sge, %add3A_200, %ge3A : i32
      %convert_element_type3A_202 = arith.extui %ge3A_201 : i1 to i32
      %cond3A_203 = arith.constant 0 : i32
      %cond3A_204 = arith.cmpi ne, %convert_element_type3A_202, %cond3A_203 : i32
      scf.if %cond3A_204 {
        %dma_wait3A_345 = arith.constant 0 : i32
        %dma_wait3A_346 = arith.constant 0 : i32
        %dma_wait3A_347 = arith.constant 0 : i32
        %dma_wait3A_348 = arith.constant 0 : i32
        %dma_wait3A_349 = tpu.memref_slice %arg6[%dma_wait3A_345, %dma_wait3A_347, %dma_wait3A_348] : memref<5x256x64xf32, #tpu.memory_space<vmem>> -> memref<1x256x64xf32, #tpu.memory_space<vmem>>
        %dma_wait3A_350 = tpu.memref_squeeze %dma_wait3A_349 : memref<1x256x64xf32, #tpu.memory_space<vmem>> -> memref<256x64xf32, #tpu.memory_space<vmem>>
        %dma_wait3A_351 = arith.constant 0 : i32
        %dma_wait3A_352 = tpu.memref_slice %arg4[%mul3A_2, %dma_wait3A_351] : memref<819200x64xf32, #tpu.memory_space<hbm>> -> memref<256x64xf32, #tpu.memory_space<hbm>>
        %dma_wait3A_353 = tpu.memref_slice %arg8[%dma_wait3A_346] : memref<5x!tpu.dma_semaphore, #tpu.memory_space<semaphore_mem>> -> memref<1x!tpu.dma_semaphore, #tpu.memory_space<semaphore_mem>>
        %dma_wait3A_354 = tpu.memref_squeeze %dma_wait3A_353 : memref<1x!tpu.dma_semaphore, #tpu.memory_space<semaphore_mem>> -> memref<!tpu.dma_semaphore, #tpu.memory_space<semaphore_mem>>
        %dma_wait3A_355 = arith.constant 0 : i32
        %dma_wait3A_356 = tpu.memref_slice %arg4[%mul3A_2, %dma_wait3A_355] : memref<819200x64xf32, #tpu.memory_space<hbm>> -> memref<256x64xf32, #tpu.memory_space<hbm>>
        %dma_wait3A_357 = arith.constant 0 : i32
        %dma_wait3A_358 = arith.constant 0 : i32
        %dma_wait3A_359 = tpu.memref_slice %arg6[%dma_wait3A_345, %dma_wait3A_357, %dma_wait3A_358] : memref<5x256x64xf32, #tpu.memory_space<vmem>> -> memref<1x256x64xf32, #tpu.memory_space<vmem>>
        %dma_wait3A_360 = tpu.memref_squeeze %dma_wait3A_359 : memref<1x256x64xf32, #tpu.memory_space<vmem>> -> memref<256x64xf32, #tpu.memory_space<vmem>>
        tpu.wait_dma2 semaphore(%dma_wait3A_354 : memref<!tpu.dma_semaphore, #tpu.memory_space<semaphore_mem>>) src(%dma_wait3A_360 : memref<256x64xf32, #tpu.memory_space<vmem>>) dst(%dma_wait3A_356 : memref<256x64xf32, #tpu.memory_space<hbm>>)
      } else {
      }
      %dma_start3A_205 = arith.constant 0 : i32
      %dma_start3A_206 = arith.constant 0 : i32
      %dma_start3A_207 = arith.constant 0 : i32
      %dma_start3A_208 = arith.constant 0 : i32
      %dma_start3A_209 = tpu.memref_slice %arg6[%dma_start3A_205, %dma_start3A_207, %dma_start3A_208] : memref<5x256x64xf32, #tpu.memory_space<vmem>> -> memref<1x256x64xf32, #tpu.memory_space<vmem>>
      %dma_start3A_210 = tpu.memref_squeeze %dma_start3A_209 : memref<1x256x64xf32, #tpu.memory_space<vmem>> -> memref<256x64xf32, #tpu.memory_space<vmem>>
      %dma_start3A_211 = arith.constant 0 : i32
      %dma_start3A_212 = tpu.memref_slice %arg5[%add3A_200, %dma_start3A_211] : memref<100x256xi32, #tpu.memory_space<vmem>> -> memref<1x256xi32, #tpu.memory_space<vmem>>
      %dma_start3A_213 = tpu.memref_squeeze %dma_start3A_212 : memref<1x256xi32, #tpu.memory_space<vmem>> -> memref<256xi32, #tpu.memory_space<vmem>>
      %dma_start3A_214 = arith.constant 0 : i32
      %dma_start3A_215 = arith.constant 0 : i32
      %dma_start3A_216 = tpu.memref_slice %arg3[%dma_start3A_214, %dma_start3A_215] : memref<1000000x64xf32, #tpu.memory_space<hbm>> -> memref<1000000x64xf32, #tpu.memory_space<hbm>>
      %dma_start3A_217 = tpu.memref_slice %arg7[%dma_start3A_206] : memref<5x!tpu.dma_semaphore, #tpu.memory_space<semaphore_mem>> -> memref<1x!tpu.dma_semaphore, #tpu.memory_space<semaphore_mem>>
      %dma_start3A_218 = tpu.memref_squeeze %dma_start3A_217 : memref<1x!tpu.dma_semaphore, #tpu.memory_space<semaphore_mem>> -> memref<!tpu.dma_semaphore, #tpu.memory_space<semaphore_mem>>
      tpu.enqueue_indirect_dma source(%dma_start3A_216 : memref<1000000x64xf32, #tpu.memory_space<hbm>>) target(%dma_start3A_210 : memref<256x64xf32, #tpu.memory_space<vmem>>) offsets(%dma_start3A_213 : memref<256xi32, #tpu.memory_space<vmem>>) semaphore(%dma_start3A_218 : memref<!tpu.dma_semaphore, #tpu.memory_space<semaphore_mem>>)
      %sub3A = arith.constant 2 : i32
      %sub3A_219 = arith.subi %add3A_200, %sub3A : i32
      %ge3A_220 = arith.constant 0 : i32
      %ge3A_221 = arith.cmpi sge, %sub3A_219, %ge3A_220 : i32
      %convert_element_type3A_222 = arith.extui %ge3A_221 : i1 to i32
      %cond3A_223 = arith.constant 0 : i32
      %cond3A_224 = arith.cmpi ne, %convert_element_type3A_222, %cond3A_223 : i32
      scf.if %cond3A_224 {
        %dma_wait3A_345 = arith.constant 0 : i32
        %dma_wait3A_346 = arith.constant 3 : i32
        %dma_wait3A_347 = arith.constant 3 : i32
        %dma_wait3A_348 = arith.constant 0 : i32
        %dma_wait3A_349 = arith.constant 0 : i32
        %dma_wait3A_350 = tpu.memref_slice %arg6[%dma_wait3A_346, %dma_wait3A_348, %dma_wait3A_349] : memref<5x256x64xf32, #tpu.memory_space<vmem>> -> memref<1x256x64xf32, #tpu.memory_space<vmem>>
        %dma_wait3A_351 = tpu.memref_squeeze %dma_wait3A_350 : memref<1x256x64xf32, #tpu.memory_space<vmem>> -> memref<256x64xf32, #tpu.memory_space<vmem>>
        %dma_wait3A_352 = arith.constant 0 : i32
        %dma_wait3A_353 = tpu.memref_slice %arg5[%dma_wait3A_345, %dma_wait3A_352] : memref<100x256xi32, #tpu.memory_space<vmem>> -> memref<1x256xi32, #tpu.memory_space<vmem>>
        %dma_wait3A_354 = tpu.memref_squeeze %dma_wait3A_353 : memref<1x256xi32, #tpu.memory_space<vmem>> -> memref<256xi32, #tpu.memory_space<vmem>>
        %dma_wait3A_355 = arith.constant 0 : i32
        %dma_wait3A_356 = arith.constant 0 : i32
        %dma_wait3A_357 = tpu.memref_slice %arg3[%dma_wait3A_355, %dma_wait3A_356] : memref<1000000x64xf32, #tpu.memory_space<hbm>> -> memref<1000000x64xf32, #tpu.memory_space<hbm>>
        %dma_wait3A_358 = tpu.memref_slice %arg7[%dma_wait3A_347] : memref<5x!tpu.dma_semaphore, #tpu.memory_space<semaphore_mem>> -> memref<1x!tpu.dma_semaphore, #tpu.memory_space<semaphore_mem>>
        %dma_wait3A_359 = tpu.memref_squeeze %dma_wait3A_358 : memref<1x!tpu.dma_semaphore, #tpu.memory_space<semaphore_mem>> -> memref<!tpu.dma_semaphore, #tpu.memory_space<semaphore_mem>>
        tpu.wait_indirect_dma semaphore(%dma_wait3A_359 : memref<!tpu.dma_semaphore, #tpu.memory_space<semaphore_mem>>) src(%dma_wait3A_357 : memref<1000000x64xf32, #tpu.memory_space<hbm>>) dst(%dma_wait3A_351 : memref<256x64xf32, #tpu.memory_space<vmem>>)
        %mul3A_360 = arith.constant 256 : i32
        %mul3A_361 = arith.muli %sub3A_219, %mul3A_360 : i32
        %add3A_362 = arith.addi %mul3A_2, %mul3A_361 : i32
        %dma_start3A_363 = arith.constant 3 : i32
        %dma_start3A_364 = arith.constant 3 : i32
        %dma_start3A_365 = arith.constant 0 : i32
        %dma_start3A_366 = arith.constant 0 : i32
        %dma_start3A_367 = tpu.memref_slice %arg6[%dma_start3A_363, %dma_start3A_365, %dma_start3A_366] : memref<5x256x64xf32, #tpu.memory_space<vmem>> -> memref<1x256x64xf32, #tpu.memory_space<vmem>>
        %dma_start3A_368 = tpu.memref_squeeze %dma_start3A_367 : memref<1x256x64xf32, #tpu.memory_space<vmem>> -> memref<256x64xf32, #tpu.memory_space<vmem>>
        %dma_start3A_369 = arith.constant 0 : i32
        %dma_start3A_370 = tpu.memref_slice %arg4[%add3A_362, %dma_start3A_369] : memref<819200x64xf32, #tpu.memory_space<hbm>> -> memref<256x64xf32, #tpu.memory_space<hbm>>
        %dma_start3A_371 = tpu.memref_slice %arg8[%dma_start3A_364] : memref<5x!tpu.dma_semaphore, #tpu.memory_space<semaphore_mem>> -> memref<1x!tpu.dma_semaphore, #tpu.memory_space<semaphore_mem>>
        %dma_start3A_372 = tpu.memref_squeeze %dma_start3A_371 : memref<1x!tpu.dma_semaphore, #tpu.memory_space<semaphore_mem>> -> memref<!tpu.dma_semaphore, #tpu.memory_space<semaphore_mem>>
        %dma_start3A_373 = arith.constant 0 : i32
        %dma_start3A_374 = tpu.memref_slice %arg4[%add3A_362, %dma_start3A_373] : memref<819200x64xf32, #tpu.memory_space<hbm>> -> memref<256x64xf32, #tpu.memory_space<hbm>>
        %dma_start3A_375 = arith.constant 0 : i32
        %dma_start3A_376 = arith.constant 0 : i32
        %dma_start3A_377 = tpu.memref_slice %arg6[%dma_start3A_363, %dma_start3A_375, %dma_start3A_376] : memref<5x256x64xf32, #tpu.memory_space<vmem>> -> memref<1x256x64xf32, #tpu.memory_space<vmem>>
        %dma_start3A_378 = tpu.memref_squeeze %dma_start3A_377 : memref<1x256x64xf32, #tpu.memory_space<vmem>> -> memref<256x64xf32, #tpu.memory_space<vmem>>
        tpu.enqueue_dma source(%dma_start3A_378 : memref<256x64xf32, #tpu.memory_space<vmem>>) target(%dma_start3A_374 : memref<256x64xf32, #tpu.memory_space<hbm>>) target_semaphore(%dma_start3A_372 : memref<!tpu.dma_semaphore, #tpu.memory_space<semaphore_mem>>)
      } else {
      }
      %mul3A_225 = arith.constant 5 : i32
      %mul3A_226 = arith.muli %scan3A_194, %mul3A_225 : i32
      %add3A_227 = arith.constant 1 : i32
      %add3A_228 = arith.addi %mul3A_226, %add3A_227 : i32
      %ge3A_229 = arith.constant 5 : i32
      %ge3A_230 = arith.cmpi sge, %add3A_228, %ge3A_229 : i32
      %convert_element_type3A_231 = arith.extui %ge3A_230 : i1 to i32
      %cond3A_232 = arith.constant 0 : i32
      %cond3A_233 = arith.cmpi ne, %convert_element_type3A_231, %cond3A_232 : i32
      scf.if %cond3A_233 {
        %dma_wait3A_345 = arith.constant 1 : i32
        %dma_wait3A_346 = arith.constant 1 : i32
        %dma_wait3A_347 = arith.constant 0 : i32
        %dma_wait3A_348 = arith.constant 0 : i32
        %dma_wait3A_349 = tpu.memref_slice %arg6[%dma_wait3A_345, %dma_wait3A_347, %dma_wait3A_348] : memref<5x256x64xf32, #tpu.memory_space<vmem>> -> memref<1x256x64xf32, #tpu.memory_space<vmem>>
        %dma_wait3A_350 = tpu.memref_squeeze %dma_wait3A_349 : memref<1x256x64xf32, #tpu.memory_space<vmem>> -> memref<256x64xf32, #tpu.memory_space<vmem>>
        %dma_wait3A_351 = arith.constant 0 : i32
        %dma_wait3A_352 = tpu.memref_slice %arg4[%mul3A_2, %dma_wait3A_351] : memref<819200x64xf32, #tpu.memory_space<hbm>> -> memref<256x64xf32, #tpu.memory_space<hbm>>
        %dma_wait3A_353 = tpu.memref_slice %arg8[%dma_wait3A_346] : memref<5x!tpu.dma_semaphore, #tpu.memory_space<semaphore_mem>> -> memref<1x!tpu.dma_semaphore, #tpu.memory_space<semaphore_mem>>
        %dma_wait3A_354 = tpu.memref_squeeze %dma_wait3A_353 : memref<1x!tpu.dma_semaphore, #tpu.memory_space<semaphore_mem>> -> memref<!tpu.dma_semaphore, #tpu.memory_space<semaphore_mem>>
        %dma_wait3A_355 = arith.constant 0 : i32
        %dma_wait3A_356 = tpu.memref_slice %arg4[%mul3A_2, %dma_wait3A_355] : memref<819200x64xf32, #tpu.memory_space<hbm>> -> memref<256x64xf32, #tpu.memory_space<hbm>>
        %dma_wait3A_357 = arith.constant 0 : i32
        %dma_wait3A_358 = arith.constant 0 : i32
        %dma_wait3A_359 = tpu.memref_slice %arg6[%dma_wait3A_345, %dma_wait3A_357, %dma_wait3A_358] : memref<5x256x64xf32, #tpu.memory_space<vmem>> -> memref<1x256x64xf32, #tpu.memory_space<vmem>>
        %dma_wait3A_360 = tpu.memref_squeeze %dma_wait3A_359 : memref<1x256x64xf32, #tpu.memory_space<vmem>> -> memref<256x64xf32, #tpu.memory_space<vmem>>
        tpu.wait_dma2 semaphore(%dma_wait3A_354 : memref<!tpu.dma_semaphore, #tpu.memory_space<semaphore_mem>>) src(%dma_wait3A_360 : memref<256x64xf32, #tpu.memory_space<vmem>>) dst(%dma_wait3A_356 : memref<256x64xf32, #tpu.memory_space<hbm>>)
      } else {
      }
      %dma_start3A_234 = arith.constant 1 : i32
      %dma_start3A_235 = arith.constant 1 : i32
      %dma_start3A_236 = arith.constant 0 : i32
      %dma_start3A_237 = arith.constant 0 : i32
      %dma_start3A_238 = tpu.memref_slice %arg6[%dma_start3A_234, %dma_start3A_236, %dma_start3A_237] : memref<5x256x64xf32, #tpu.memory_space<vmem>> -> memref<1x256x64xf32, #tpu.memory_space<vmem>>
      %dma_start3A_239 = tpu.memref_squeeze %dma_start3A_238 : memref<1x256x64xf32, #tpu.memory_space<vmem>> -> memref<256x64xf32, #tpu.memory_space<vmem>>
      %dma_start3A_240 = arith.constant 0 : i32
      %dma_start3A_241 = tpu.memref_slice %arg5[%add3A_228, %dma_start3A_240] : memref<100x256xi32, #tpu.memory_space<vmem>> -> memref<1x256xi32, #tpu.memory_space<vmem>>
      %dma_start3A_242 = tpu.memref_squeeze %dma_start3A_241 : memref<1x256xi32, #tpu.memory_space<vmem>> -> memref<256xi32, #tpu.memory_space<vmem>>
      %dma_start3A_243 = arith.constant 0 : i32
      %dma_start3A_244 = arith.constant 0 : i32
      %dma_start3A_245 = tpu.memref_slice %arg3[%dma_start3A_243, %dma_start3A_244] : memref<1000000x64xf32, #tpu.memory_space<hbm>> -> memref<1000000x64xf32, #tpu.memory_space<hbm>>
      %dma_start3A_246 = tpu.memref_slice %arg7[%dma_start3A_235] : memref<5x!tpu.dma_semaphore, #tpu.memory_space<semaphore_mem>> -> memref<1x!tpu.dma_semaphore, #tpu.memory_space<semaphore_mem>>
      %dma_start3A_247 = tpu.memref_squeeze %dma_start3A_246 : memref<1x!tpu.dma_semaphore, #tpu.memory_space<semaphore_mem>> -> memref<!tpu.dma_semaphore, #tpu.memory_space<semaphore_mem>>
      tpu.enqueue_indirect_dma source(%dma_start3A_245 : memref<1000000x64xf32, #tpu.memory_space<hbm>>) target(%dma_start3A_239 : memref<256x64xf32, #tpu.memory_space<vmem>>) offsets(%dma_start3A_242 : memref<256xi32, #tpu.memory_space<vmem>>) semaphore(%dma_start3A_247 : memref<!tpu.dma_semaphore, #tpu.memory_space<semaphore_mem>>)
      %sub3A_248 = arith.constant 2 : i32
      %sub3A_249 = arith.subi %add3A_228, %sub3A_248 : i32
      %ge3A_250 = arith.constant 0 : i32
      %ge3A_251 = arith.cmpi sge, %sub3A_249, %ge3A_250 : i32
      %convert_element_type3A_252 = arith.extui %ge3A_251 : i1 to i32
      %cond3A_253 = arith.constant 0 : i32
      %cond3A_254 = arith.cmpi ne, %convert_element_type3A_252, %cond3A_253 : i32
      scf.if %cond3A_254 {
        %dma_wait3A_345 = arith.constant 0 : i32
        %dma_wait3A_346 = arith.constant 4 : i32
        %dma_wait3A_347 = arith.constant 4 : i32
        %dma_wait3A_348 = arith.constant 0 : i32
        %dma_wait3A_349 = arith.constant 0 : i32
        %dma_wait3A_350 = tpu.memref_slice %arg6[%dma_wait3A_346, %dma_wait3A_348, %dma_wait3A_349] : memref<5x256x64xf32, #tpu.memory_space<vmem>> -> memref<1x256x64xf32, #tpu.memory_space<vmem>>
        %dma_wait3A_351 = tpu.memref_squeeze %dma_wait3A_350 : memref<1x256x64xf32, #tpu.memory_space<vmem>> -> memref<256x64xf32, #tpu.memory_space<vmem>>
        %dma_wait3A_352 = arith.constant 0 : i32
        %dma_wait3A_353 = tpu.memref_slice %arg5[%dma_wait3A_345, %dma_wait3A_352] : memref<100x256xi32, #tpu.memory_space<vmem>> -> memref<1x256xi32, #tpu.memory_space<vmem>>
        %dma_wait3A_354 = tpu.memref_squeeze %dma_wait3A_353 : memref<1x256xi32, #tpu.memory_space<vmem>> -> memref<256xi32, #tpu.memory_space<vmem>>
        %dma_wait3A_355 = arith.constant 0 : i32
        %dma_wait3A_356 = arith.constant 0 : i32
        %dma_wait3A_357 = tpu.memref_slice %arg3[%dma_wait3A_355, %dma_wait3A_356] : memref<1000000x64xf32, #tpu.memory_space<hbm>> -> memref<1000000x64xf32, #tpu.memory_space<hbm>>
        %dma_wait3A_358 = tpu.memref_slice %arg7[%dma_wait3A_347] : memref<5x!tpu.dma_semaphore, #tpu.memory_space<semaphore_mem>> -> memref<1x!tpu.dma_semaphore, #tpu.memory_space<semaphore_mem>>
        %dma_wait3A_359 = tpu.memref_squeeze %dma_wait3A_358 : memref<1x!tpu.dma_semaphore, #tpu.memory_space<semaphore_mem>> -> memref<!tpu.dma_semaphore, #tpu.memory_space<semaphore_mem>>
        tpu.wait_indirect_dma semaphore(%dma_wait3A_359 : memref<!tpu.dma_semaphore, #tpu.memory_space<semaphore_mem>>) src(%dma_wait3A_357 : memref<1000000x64xf32, #tpu.memory_space<hbm>>) dst(%dma_wait3A_351 : memref<256x64xf32, #tpu.memory_space<vmem>>)
        %mul3A_360 = arith.constant 256 : i32
        %mul3A_361 = arith.muli %sub3A_249, %mul3A_360 : i32
        %add3A_362 = arith.addi %mul3A_2, %mul3A_361 : i32
        %dma_start3A_363 = arith.constant 4 : i32
        %dma_start3A_364 = arith.constant 4 : i32
        %dma_start3A_365 = arith.constant 0 : i32
        %dma_start3A_366 = arith.constant 0 : i32
        %dma_start3A_367 = tpu.memref_slice %arg6[%dma_start3A_363, %dma_start3A_365, %dma_start3A_366] : memref<5x256x64xf32, #tpu.memory_space<vmem>> -> memref<1x256x64xf32, #tpu.memory_space<vmem>>
        %dma_start3A_368 = tpu.memref_squeeze %dma_start3A_367 : memref<1x256x64xf32, #tpu.memory_space<vmem>> -> memref<256x64xf32, #tpu.memory_space<vmem>>
        %dma_start3A_369 = arith.constant 0 : i32
        %dma_start3A_370 = tpu.memref_slice %arg4[%add3A_362, %dma_start3A_369] : memref<819200x64xf32, #tpu.memory_space<hbm>> -> memref<256x64xf32, #tpu.memory_space<hbm>>
        %dma_start3A_371 = tpu.memref_slice %arg8[%dma_start3A_364] : memref<5x!tpu.dma_semaphore, #tpu.memory_space<semaphore_mem>> -> memref<1x!tpu.dma_semaphore, #tpu.memory_space<semaphore_mem>>
        %dma_start3A_372 = tpu.memref_squeeze %dma_start3A_371 : memref<1x!tpu.dma_semaphore, #tpu.memory_space<semaphore_mem>> -> memref<!tpu.dma_semaphore, #tpu.memory_space<semaphore_mem>>
        %dma_start3A_373 = arith.constant 0 : i32
        %dma_start3A_374 = tpu.memref_slice %arg4[%add3A_362, %dma_start3A_373] : memref<819200x64xf32, #tpu.memory_space<hbm>> -> memref<256x64xf32, #tpu.memory_space<hbm>>
        %dma_start3A_375 = arith.constant 0 : i32
        %dma_start3A_376 = arith.constant 0 : i32
        %dma_start3A_377 = tpu.memref_slice %arg6[%dma_start3A_363, %dma_start3A_375, %dma_start3A_376] : memref<5x256x64xf32, #tpu.memory_space<vmem>> -> memref<1x256x64xf32, #tpu.memory_space<vmem>>
        %dma_start3A_378 = tpu.memref_squeeze %dma_start3A_377 : memref<1x256x64xf32, #tpu.memory_space<vmem>> -> memref<256x64xf32, #tpu.memory_space<vmem>>
        tpu.enqueue_dma source(%dma_start3A_378 : memref<256x64xf32, #tpu.memory_space<vmem>>) target(%dma_start3A_374 : memref<256x64xf32, #tpu.memory_space<hbm>>) target_semaphore(%dma_start3A_372 : memref<!tpu.dma_semaphore, #tpu.memory_space<semaphore_mem>>)
      } else {
      }
      %mul3A_255 = arith.constant 5 : i32
      %mul3A_256 = arith.muli %scan3A_194, %mul3A_255 : i32
      %add3A_257 = arith.constant 2 : i32
      %add3A_258 = arith.addi %mul3A_256, %add3A_257 : i32
      %ge3A_259 = arith.constant 5 : i32
      %ge3A_260 = arith.cmpi sge, %add3A_258, %ge3A_259 : i32
      %convert_element_type3A_261 = arith.extui %ge3A_260 : i1 to i32
      %cond3A_262 = arith.constant 0 : i32
      %cond3A_263 = arith.cmpi ne, %convert_element_type3A_261, %cond3A_262 : i32
      scf.if %cond3A_263 {
        %dma_wait3A_345 = arith.constant 2 : i32
        %dma_wait3A_346 = arith.constant 2 : i32
        %dma_wait3A_347 = arith.constant 0 : i32
        %dma_wait3A_348 = arith.constant 0 : i32
        %dma_wait3A_349 = tpu.memref_slice %arg6[%dma_wait3A_345, %dma_wait3A_347, %dma_wait3A_348] : memref<5x256x64xf32, #tpu.memory_space<vmem>> -> memref<1x256x64xf32, #tpu.memory_space<vmem>>
        %dma_wait3A_350 = tpu.memref_squeeze %dma_wait3A_349 : memref<1x256x64xf32, #tpu.memory_space<vmem>> -> memref<256x64xf32, #tpu.memory_space<vmem>>
        %dma_wait3A_351 = arith.constant 0 : i32
        %dma_wait3A_352 = tpu.memref_slice %arg4[%mul3A_2, %dma_wait3A_351] : memref<819200x64xf32, #tpu.memory_space<hbm>> -> memref<256x64xf32, #tpu.memory_space<hbm>>
        %dma_wait3A_353 = tpu.memref_slice %arg8[%dma_wait3A_346] : memref<5x!tpu.dma_semaphore, #tpu.memory_space<semaphore_mem>> -> memref<1x!tpu.dma_semaphore, #tpu.memory_space<semaphore_mem>>
        %dma_wait3A_354 = tpu.memref_squeeze %dma_wait3A_353 : memref<1x!tpu.dma_semaphore, #tpu.memory_space<semaphore_mem>> -> memref<!tpu.dma_semaphore, #tpu.memory_space<semaphore_mem>>
        %dma_wait3A_355 = arith.constant 0 : i32
        %dma_wait3A_356 = tpu.memref_slice %arg4[%mul3A_2, %dma_wait3A_355] : memref<819200x64xf32, #tpu.memory_space<hbm>> -> memref<256x64xf32, #tpu.memory_space<hbm>>
        %dma_wait3A_357 = arith.constant 0 : i32
        %dma_wait3A_358 = arith.constant 0 : i32
        %dma_wait3A_359 = tpu.memref_slice %arg6[%dma_wait3A_345, %dma_wait3A_357, %dma_wait3A_358] : memref<5x256x64xf32, #tpu.memory_space<vmem>> -> memref<1x256x64xf32, #tpu.memory_space<vmem>>
        %dma_wait3A_360 = tpu.memref_squeeze %dma_wait3A_359 : memref<1x256x64xf32, #tpu.memory_space<vmem>> -> memref<256x64xf32, #tpu.memory_space<vmem>>
        tpu.wait_dma2 semaphore(%dma_wait3A_354 : memref<!tpu.dma_semaphore, #tpu.memory_space<semaphore_mem>>) src(%dma_wait3A_360 : memref<256x64xf32, #tpu.memory_space<vmem>>) dst(%dma_wait3A_356 : memref<256x64xf32, #tpu.memory_space<hbm>>)
      } else {
      }
      %dma_start3A_264 = arith.constant 2 : i32
      %dma_start3A_265 = arith.constant 2 : i32
      %dma_start3A_266 = arith.constant 0 : i32
      %dma_start3A_267 = arith.constant 0 : i32
      %dma_start3A_268 = tpu.memref_slice %arg6[%dma_start3A_264, %dma_start3A_266, %dma_start3A_267] : memref<5x256x64xf32, #tpu.memory_space<vmem>> -> memref<1x256x64xf32, #tpu.memory_space<vmem>>
      %dma_start3A_269 = tpu.memref_squeeze %dma_start3A_268 : memref<1x256x64xf32, #tpu.memory_space<vmem>> -> memref<256x64xf32, #tpu.memory_space<vmem>>
      %dma_start3A_270 = arith.constant 0 : i32
      %dma_start3A_271 = tpu.memref_slice %arg5[%add3A_258, %dma_start3A_270] : memref<100x256xi32, #tpu.memory_space<vmem>> -> memref<1x256xi32, #tpu.memory_space<vmem>>
      %dma_start3A_272 = tpu.memref_squeeze %dma_start3A_271 : memref<1x256xi32, #tpu.memory_space<vmem>> -> memref<256xi32, #tpu.memory_space<vmem>>
      %dma_start3A_273 = arith.constant 0 : i32
      %dma_start3A_274 = arith.constant 0 : i32
      %dma_start3A_275 = tpu.memref_slice %arg3[%dma_start3A_273, %dma_start3A_274] : memref<1000000x64xf32, #tpu.memory_space<hbm>> -> memref<1000000x64xf32, #tpu.memory_space<hbm>>
      %dma_start3A_276 = tpu.memref_slice %arg7[%dma_start3A_265] : memref<5x!tpu.dma_semaphore, #tpu.memory_space<semaphore_mem>> -> memref<1x!tpu.dma_semaphore, #tpu.memory_space<semaphore_mem>>
      %dma_start3A_277 = tpu.memref_squeeze %dma_start3A_276 : memref<1x!tpu.dma_semaphore, #tpu.memory_space<semaphore_mem>> -> memref<!tpu.dma_semaphore, #tpu.memory_space<semaphore_mem>>
      tpu.enqueue_indirect_dma source(%dma_start3A_275 : memref<1000000x64xf32, #tpu.memory_space<hbm>>) target(%dma_start3A_269 : memref<256x64xf32, #tpu.memory_space<vmem>>) offsets(%dma_start3A_272 : memref<256xi32, #tpu.memory_space<vmem>>) semaphore(%dma_start3A_277 : memref<!tpu.dma_semaphore, #tpu.memory_space<semaphore_mem>>)
      %sub3A_278 = arith.constant 2 : i32
      %sub3A_279 = arith.subi %add3A_258, %sub3A_278 : i32
      %ge3A_280 = arith.constant 0 : i32
      %ge3A_281 = arith.cmpi sge, %sub3A_279, %ge3A_280 : i32
      %convert_element_type3A_282 = arith.extui %ge3A_281 : i1 to i32
      %cond3A_283 = arith.constant 0 : i32
      %cond3A_284 = arith.cmpi ne, %convert_element_type3A_282, %cond3A_283 : i32
      scf.if %cond3A_284 {
        %dma_wait3A_345 = arith.constant 0 : i32
        %dma_wait3A_346 = arith.constant 0 : i32
        %dma_wait3A_347 = arith.constant 0 : i32
        %dma_wait3A_348 = arith.constant 0 : i32
        %dma_wait3A_349 = arith.constant 0 : i32
        %dma_wait3A_350 = tpu.memref_slice %arg6[%dma_wait3A_346, %dma_wait3A_348, %dma_wait3A_349] : memref<5x256x64xf32, #tpu.memory_space<vmem>> -> memref<1x256x64xf32, #tpu.memory_space<vmem>>
        %dma_wait3A_351 = tpu.memref_squeeze %dma_wait3A_350 : memref<1x256x64xf32, #tpu.memory_space<vmem>> -> memref<256x64xf32, #tpu.memory_space<vmem>>
        %dma_wait3A_352 = arith.constant 0 : i32
        %dma_wait3A_353 = tpu.memref_slice %arg5[%dma_wait3A_345, %dma_wait3A_352] : memref<100x256xi32, #tpu.memory_space<vmem>> -> memref<1x256xi32, #tpu.memory_space<vmem>>
        %dma_wait3A_354 = tpu.memref_squeeze %dma_wait3A_353 : memref<1x256xi32, #tpu.memory_space<vmem>> -> memref<256xi32, #tpu.memory_space<vmem>>
        %dma_wait3A_355 = arith.constant 0 : i32
        %dma_wait3A_356 = arith.constant 0 : i32
        %dma_wait3A_357 = tpu.memref_slice %arg3[%dma_wait3A_355, %dma_wait3A_356] : memref<1000000x64xf32, #tpu.memory_space<hbm>> -> memref<1000000x64xf32, #tpu.memory_space<hbm>>
        %dma_wait3A_358 = tpu.memref_slice %arg7[%dma_wait3A_347] : memref<5x!tpu.dma_semaphore, #tpu.memory_space<semaphore_mem>> -> memref<1x!tpu.dma_semaphore, #tpu.memory_space<semaphore_mem>>
        %dma_wait3A_359 = tpu.memref_squeeze %dma_wait3A_358 : memref<1x!tpu.dma_semaphore, #tpu.memory_space<semaphore_mem>> -> memref<!tpu.dma_semaphore, #tpu.memory_space<semaphore_mem>>
        tpu.wait_indirect_dma semaphore(%dma_wait3A_359 : memref<!tpu.dma_semaphore, #tpu.memory_space<semaphore_mem>>) src(%dma_wait3A_357 : memref<1000000x64xf32, #tpu.memory_space<hbm>>) dst(%dma_wait3A_351 : memref<256x64xf32, #tpu.memory_space<vmem>>)
        %mul3A_360 = arith.constant 256 : i32
        %mul3A_361 = arith.muli %sub3A_279, %mul3A_360 : i32
        %add3A_362 = arith.addi %mul3A_2, %mul3A_361 : i32
        %dma_start3A_363 = arith.constant 0 : i32
        %dma_start3A_364 = arith.constant 0 : i32
        %dma_start3A_365 = arith.constant 0 : i32
        %dma_start3A_366 = arith.constant 0 : i32
        %dma_start3A_367 = tpu.memref_slice %arg6[%dma_start3A_363, %dma_start3A_365, %dma_start3A_366] : memref<5x256x64xf32, #tpu.memory_space<vmem>> -> memref<1x256x64xf32, #tpu.memory_space<vmem>>
        %dma_start3A_368 = tpu.memref_squeeze %dma_start3A_367 : memref<1x256x64xf32, #tpu.memory_space<vmem>> -> memref<256x64xf32, #tpu.memory_space<vmem>>
        %dma_start3A_369 = arith.constant 0 : i32
        %dma_start3A_370 = tpu.memref_slice %arg4[%add3A_362, %dma_start3A_369] : memref<819200x64xf32, #tpu.memory_space<hbm>> -> memref<256x64xf32, #tpu.memory_space<hbm>>
        %dma_start3A_371 = tpu.memref_slice %arg8[%dma_start3A_364] : memref<5x!tpu.dma_semaphore, #tpu.memory_space<semaphore_mem>> -> memref<1x!tpu.dma_semaphore, #tpu.memory_space<semaphore_mem>>
        %dma_start3A_372 = tpu.memref_squeeze %dma_start3A_371 : memref<1x!tpu.dma_semaphore, #tpu.memory_space<semaphore_mem>> -> memref<!tpu.dma_semaphore, #tpu.memory_space<semaphore_mem>>
        %dma_start3A_373 = arith.constant 0 : i32
        %dma_start3A_374 = tpu.memref_slice %arg4[%add3A_362, %dma_start3A_373] : memref<819200x64xf32, #tpu.memory_space<hbm>> -> memref<256x64xf32, #tpu.memory_space<hbm>>
        %dma_start3A_375 = arith.constant 0 : i32
        %dma_start3A_376 = arith.constant 0 : i32
        %dma_start3A_377 = tpu.memref_slice %arg6[%dma_start3A_363, %dma_start3A_375, %dma_start3A_376] : memref<5x256x64xf32, #tpu.memory_space<vmem>> -> memref<1x256x64xf32, #tpu.memory_space<vmem>>
        %dma_start3A_378 = tpu.memref_squeeze %dma_start3A_377 : memref<1x256x64xf32, #tpu.memory_space<vmem>> -> memref<256x64xf32, #tpu.memory_space<vmem>>
        tpu.enqueue_dma source(%dma_start3A_378 : memref<256x64xf32, #tpu.memory_space<vmem>>) target(%dma_start3A_374 : memref<256x64xf32, #tpu.memory_space<hbm>>) target_semaphore(%dma_start3A_372 : memref<!tpu.dma_semaphore, #tpu.memory_space<semaphore_mem>>)
      } else {
      }
      %mul3A_285 = arith.constant 5 : i32
      %mul3A_286 = arith.muli %scan3A_194, %mul3A_285 : i32
      %add3A_287 = arith.constant 3 : i32
      %add3A_288 = arith.addi %mul3A_286, %add3A_287 : i32
      %ge3A_289 = arith.constant 5 : i32
      %ge3A_290 = arith.cmpi sge, %add3A_288, %ge3A_289 : i32
      %convert_element_type3A_291 = arith.extui %ge3A_290 : i1 to i32
      %cond3A_292 = arith.constant 0 : i32
      %cond3A_293 = arith.cmpi ne, %convert_element_type3A_291, %cond3A_292 : i32
      scf.if %cond3A_293 {
        %dma_wait3A_345 = arith.constant 3 : i32
        %dma_wait3A_346 = arith.constant 3 : i32
        %dma_wait3A_347 = arith.constant 0 : i32
        %dma_wait3A_348 = arith.constant 0 : i32
        %dma_wait3A_349 = tpu.memref_slice %arg6[%dma_wait3A_345, %dma_wait3A_347, %dma_wait3A_348] : memref<5x256x64xf32, #tpu.memory_space<vmem>> -> memref<1x256x64xf32, #tpu.memory_space<vmem>>
        %dma_wait3A_350 = tpu.memref_squeeze %dma_wait3A_349 : memref<1x256x64xf32, #tpu.memory_space<vmem>> -> memref<256x64xf32, #tpu.memory_space<vmem>>
        %dma_wait3A_351 = arith.constant 0 : i32
        %dma_wait3A_352 = tpu.memref_slice %arg4[%mul3A_2, %dma_wait3A_351] : memref<819200x64xf32, #tpu.memory_space<hbm>> -> memref<256x64xf32, #tpu.memory_space<hbm>>
        %dma_wait3A_353 = tpu.memref_slice %arg8[%dma_wait3A_346] : memref<5x!tpu.dma_semaphore, #tpu.memory_space<semaphore_mem>> -> memref<1x!tpu.dma_semaphore, #tpu.memory_space<semaphore_mem>>
        %dma_wait3A_354 = tpu.memref_squeeze %dma_wait3A_353 : memref<1x!tpu.dma_semaphore, #tpu.memory_space<semaphore_mem>> -> memref<!tpu.dma_semaphore, #tpu.memory_space<semaphore_mem>>
        %dma_wait3A_355 = arith.constant 0 : i32
        %dma_wait3A_356 = tpu.memref_slice %arg4[%mul3A_2, %dma_wait3A_355] : memref<819200x64xf32, #tpu.memory_space<hbm>> -> memref<256x64xf32, #tpu.memory_space<hbm>>
        %dma_wait3A_357 = arith.constant 0 : i32
        %dma_wait3A_358 = arith.constant 0 : i32
        %dma_wait3A_359 = tpu.memref_slice %arg6[%dma_wait3A_345, %dma_wait3A_357, %dma_wait3A_358] : memref<5x256x64xf32, #tpu.memory_space<vmem>> -> memref<1x256x64xf32, #tpu.memory_space<vmem>>
        %dma_wait3A_360 = tpu.memref_squeeze %dma_wait3A_359 : memref<1x256x64xf32, #tpu.memory_space<vmem>> -> memref<256x64xf32, #tpu.memory_space<vmem>>
        tpu.wait_dma2 semaphore(%dma_wait3A_354 : memref<!tpu.dma_semaphore, #tpu.memory_space<semaphore_mem>>) src(%dma_wait3A_360 : memref<256x64xf32, #tpu.memory_space<vmem>>) dst(%dma_wait3A_356 : memref<256x64xf32, #tpu.memory_space<hbm>>)
      } else {
      }
      %dma_start3A_294 = arith.constant 3 : i32
      %dma_start3A_295 = arith.constant 3 : i32
      %dma_start3A_296 = arith.constant 0 : i32
      %dma_start3A_297 = arith.constant 0 : i32
      %dma_start3A_298 = tpu.memref_slice %arg6[%dma_start3A_294, %dma_start3A_296, %dma_start3A_297] : memref<5x256x64xf32, #tpu.memory_space<vmem>> -> memref<1x256x64xf32, #tpu.memory_space<vmem>>
      %dma_start3A_299 = tpu.memref_squeeze %dma_start3A_298 : memref<1x256x64xf32, #tpu.memory_space<vmem>> -> memref<256x64xf32, #tpu.memory_space<vmem>>
      %dma_start3A_300 = arith.constant 0 : i32
      %dma_start3A_301 = tpu.memref_slice %arg5[%add3A_288, %dma_start3A_300] : memref<100x256xi32, #tpu.memory_space<vmem>> -> memref<1x256xi32, #tpu.memory_space<vmem>>
      %dma_start3A_302 = tpu.memref_squeeze %dma_start3A_301 : memref<1x256xi32, #tpu.memory_space<vmem>> -> memref<256xi32, #tpu.memory_space<vmem>>
      %dma_start3A_303 = arith.constant 0 : i32
      %dma_start3A_304 = arith.constant 0 : i32
      %dma_start3A_305 = tpu.memref_slice %arg3[%dma_start3A_303, %dma_start3A_304] : memref<1000000x64xf32, #tpu.memory_space<hbm>> -> memref<1000000x64xf32, #tpu.memory_space<hbm>>
      %dma_start3A_306 = tpu.memref_slice %arg7[%dma_start3A_295] : memref<5x!tpu.dma_semaphore, #tpu.memory_space<semaphore_mem>> -> memref<1x!tpu.dma_semaphore, #tpu.memory_space<semaphore_mem>>
      %dma_start3A_307 = tpu.memref_squeeze %dma_start3A_306 : memref<1x!tpu.dma_semaphore, #tpu.memory_space<semaphore_mem>> -> memref<!tpu.dma_semaphore, #tpu.memory_space<semaphore_mem>>
      tpu.enqueue_indirect_dma source(%dma_start3A_305 : memref<1000000x64xf32, #tpu.memory_space<hbm>>) target(%dma_start3A_299 : memref<256x64xf32, #tpu.memory_space<vmem>>) offsets(%dma_start3A_302 : memref<256xi32, #tpu.memory_space<vmem>>) semaphore(%dma_start3A_307 : memref<!tpu.dma_semaphore, #tpu.memory_space<semaphore_mem>>)
      %sub3A_308 = arith.constant 2 : i32
      %sub3A_309 = arith.subi %add3A_288, %sub3A_308 : i32
      %ge3A_310 = arith.constant 0 : i32
      %ge3A_311 = arith.cmpi sge, %sub3A_309, %ge3A_310 : i32
      %convert_element_type3A_312 = arith.extui %ge3A_311 : i1 to i32
      %cond3A_313 = arith.constant 0 : i32
      %cond3A_314 = arith.cmpi ne, %convert_element_type3A_312, %cond3A_313 : i32
      scf.if %cond3A_314 {
        %dma_wait3A_345 = arith.constant 0 : i32
        %dma_wait3A_346 = arith.constant 1 : i32
        %dma_wait3A_347 = arith.constant 1 : i32
        %dma_wait3A_348 = arith.constant 0 : i32
        %dma_wait3A_349 = arith.constant 0 : i32
        %dma_wait3A_350 = tpu.memref_slice %arg6[%dma_wait3A_346, %dma_wait3A_348, %dma_wait3A_349] : memref<5x256x64xf32, #tpu.memory_space<vmem>> -> memref<1x256x64xf32, #tpu.memory_space<vmem>>
        %dma_wait3A_351 = tpu.memref_squeeze %dma_wait3A_350 : memref<1x256x64xf32, #tpu.memory_space<vmem>> -> memref<256x64xf32, #tpu.memory_space<vmem>>
        %dma_wait3A_352 = arith.constant 0 : i32
        %dma_wait3A_353 = tpu.memref_slice %arg5[%dma_wait3A_345, %dma_wait3A_352] : memref<100x256xi32, #tpu.memory_space<vmem>> -> memref<1x256xi32, #tpu.memory_space<vmem>>
        %dma_wait3A_354 = tpu.memref_squeeze %dma_wait3A_353 : memref<1x256xi32, #tpu.memory_space<vmem>> -> memref<256xi32, #tpu.memory_space<vmem>>
        %dma_wait3A_355 = arith.constant 0 : i32
        %dma_wait3A_356 = arith.constant 0 : i32
        %dma_wait3A_357 = tpu.memref_slice %arg3[%dma_wait3A_355, %dma_wait3A_356] : memref<1000000x64xf32, #tpu.memory_space<hbm>> -> memref<1000000x64xf32, #tpu.memory_space<hbm>>
        %dma_wait3A_358 = tpu.memref_slice %arg7[%dma_wait3A_347] : memref<5x!tpu.dma_semaphore, #tpu.memory_space<semaphore_mem>> -> memref<1x!tpu.dma_semaphore, #tpu.memory_space<semaphore_mem>>
        %dma_wait3A_359 = tpu.memref_squeeze %dma_wait3A_358 : memref<1x!tpu.dma_semaphore, #tpu.memory_space<semaphore_mem>> -> memref<!tpu.dma_semaphore, #tpu.memory_space<semaphore_mem>>
        tpu.wait_indirect_dma semaphore(%dma_wait3A_359 : memref<!tpu.dma_semaphore, #tpu.memory_space<semaphore_mem>>) src(%dma_wait3A_357 : memref<1000000x64xf32, #tpu.memory_space<hbm>>) dst(%dma_wait3A_351 : memref<256x64xf32, #tpu.memory_space<vmem>>)
        %mul3A_360 = arith.constant 256 : i32
        %mul3A_361 = arith.muli %sub3A_309, %mul3A_360 : i32
        %add3A_362 = arith.addi %mul3A_2, %mul3A_361 : i32
        %dma_start3A_363 = arith.constant 1 : i32
        %dma_start3A_364 = arith.constant 1 : i32
        %dma_start3A_365 = arith.constant 0 : i32
        %dma_start3A_366 = arith.constant 0 : i32
        %dma_start3A_367 = tpu.memref_slice %arg6[%dma_start3A_363, %dma_start3A_365, %dma_start3A_366] : memref<5x256x64xf32, #tpu.memory_space<vmem>> -> memref<1x256x64xf32, #tpu.memory_space<vmem>>
        %dma_start3A_368 = tpu.memref_squeeze %dma_start3A_367 : memref<1x256x64xf32, #tpu.memory_space<vmem>> -> memref<256x64xf32, #tpu.memory_space<vmem>>
        %dma_start3A_369 = arith.constant 0 : i32
        %dma_start3A_370 = tpu.memref_slice %arg4[%add3A_362, %dma_start3A_369] : memref<819200x64xf32, #tpu.memory_space<hbm>> -> memref<256x64xf32, #tpu.memory_space<hbm>>
        %dma_start3A_371 = tpu.memref_slice %arg8[%dma_start3A_364] : memref<5x!tpu.dma_semaphore, #tpu.memory_space<semaphore_mem>> -> memref<1x!tpu.dma_semaphore, #tpu.memory_space<semaphore_mem>>
        %dma_start3A_372 = tpu.memref_squeeze %dma_start3A_371 : memref<1x!tpu.dma_semaphore, #tpu.memory_space<semaphore_mem>> -> memref<!tpu.dma_semaphore, #tpu.memory_space<semaphore_mem>>
        %dma_start3A_373 = arith.constant 0 : i32
        %dma_start3A_374 = tpu.memref_slice %arg4[%add3A_362, %dma_start3A_373] : memref<819200x64xf32, #tpu.memory_space<hbm>> -> memref<256x64xf32, #tpu.memory_space<hbm>>
        %dma_start3A_375 = arith.constant 0 : i32
        %dma_start3A_376 = arith.constant 0 : i32
        %dma_start3A_377 = tpu.memref_slice %arg6[%dma_start3A_363, %dma_start3A_375, %dma_start3A_376] : memref<5x256x64xf32, #tpu.memory_space<vmem>> -> memref<1x256x64xf32, #tpu.memory_space<vmem>>
        %dma_start3A_378 = tpu.memref_squeeze %dma_start3A_377 : memref<1x256x64xf32, #tpu.memory_space<vmem>> -> memref<256x64xf32, #tpu.memory_space<vmem>>
        tpu.enqueue_dma source(%dma_start3A_378 : memref<256x64xf32, #tpu.memory_space<vmem>>) target(%dma_start3A_374 : memref<256x64xf32, #tpu.memory_space<hbm>>) target_semaphore(%dma_start3A_372 : memref<!tpu.dma_semaphore, #tpu.memory_space<semaphore_mem>>)
      } else {
      }
      %mul3A_315 = arith.constant 5 : i32
      %mul3A_316 = arith.muli %scan3A_194, %mul3A_315 : i32
      %add3A_317 = arith.constant 4 : i32
      %add3A_318 = arith.addi %mul3A_316, %add3A_317 : i32
      %ge3A_319 = arith.constant 5 : i32
      %ge3A_320 = arith.cmpi sge, %add3A_318, %ge3A_319 : i32
      %convert_element_type3A_321 = arith.extui %ge3A_320 : i1 to i32
      %cond3A_322 = arith.constant 0 : i32
      %cond3A_323 = arith.cmpi ne, %convert_element_type3A_321, %cond3A_322 : i32
      scf.if %cond3A_323 {
        %dma_wait3A_345 = arith.constant 4 : i32
        %dma_wait3A_346 = arith.constant 4 : i32
        %dma_wait3A_347 = arith.constant 0 : i32
        %dma_wait3A_348 = arith.constant 0 : i32
        %dma_wait3A_349 = tpu.memref_slice %arg6[%dma_wait3A_345, %dma_wait3A_347, %dma_wait3A_348] : memref<5x256x64xf32, #tpu.memory_space<vmem>> -> memref<1x256x64xf32, #tpu.memory_space<vmem>>
        %dma_wait3A_350 = tpu.memref_squeeze %dma_wait3A_349 : memref<1x256x64xf32, #tpu.memory_space<vmem>> -> memref<256x64xf32, #tpu.memory_space<vmem>>
        %dma_wait3A_351 = arith.constant 0 : i32
        %dma_wait3A_352 = tpu.memref_slice %arg4[%mul3A_2, %dma_wait3A_351] : memref<819200x64xf32, #tpu.memory_space<hbm>> -> memref<256x64xf32, #tpu.memory_space<hbm>>
        %dma_wait3A_353 = tpu.memref_slice %arg8[%dma_wait3A_346] : memref<5x!tpu.dma_semaphore, #tpu.memory_space<semaphore_mem>> -> memref<1x!tpu.dma_semaphore, #tpu.memory_space<semaphore_mem>>
        %dma_wait3A_354 = tpu.memref_squeeze %dma_wait3A_353 : memref<1x!tpu.dma_semaphore, #tpu.memory_space<semaphore_mem>> -> memref<!tpu.dma_semaphore, #tpu.memory_space<semaphore_mem>>
        %dma_wait3A_355 = arith.constant 0 : i32
        %dma_wait3A_356 = tpu.memref_slice %arg4[%mul3A_2, %dma_wait3A_355] : memref<819200x64xf32, #tpu.memory_space<hbm>> -> memref<256x64xf32, #tpu.memory_space<hbm>>
        %dma_wait3A_357 = arith.constant 0 : i32
        %dma_wait3A_358 = arith.constant 0 : i32
        %dma_wait3A_359 = tpu.memref_slice %arg6[%dma_wait3A_345, %dma_wait3A_357, %dma_wait3A_358] : memref<5x256x64xf32, #tpu.memory_space<vmem>> -> memref<1x256x64xf32, #tpu.memory_space<vmem>>
        %dma_wait3A_360 = tpu.memref_squeeze %dma_wait3A_359 : memref<1x256x64xf32, #tpu.memory_space<vmem>> -> memref<256x64xf32, #tpu.memory_space<vmem>>
        tpu.wait_dma2 semaphore(%dma_wait3A_354 : memref<!tpu.dma_semaphore, #tpu.memory_space<semaphore_mem>>) src(%dma_wait3A_360 : memref<256x64xf32, #tpu.memory_space<vmem>>) dst(%dma_wait3A_356 : memref<256x64xf32, #tpu.memory_space<hbm>>)
      } else {
      }
      %dma_start3A_324 = arith.constant 4 : i32
      %dma_start3A_325 = arith.constant 4 : i32
      %dma_start3A_326 = arith.constant 0 : i32
      %dma_start3A_327 = arith.constant 0 : i32
      %dma_start3A_328 = tpu.memref_slice %arg6[%dma_start3A_324, %dma_start3A_326, %dma_start3A_327] : memref<5x256x64xf32, #tpu.memory_space<vmem>> -> memref<1x256x64xf32, #tpu.memory_space<vmem>>
      %dma_start3A_329 = tpu.memref_squeeze %dma_start3A_328 : memref<1x256x64xf32, #tpu.memory_space<vmem>> -> memref<256x64xf32, #tpu.memory_space<vmem>>
      %dma_start3A_330 = arith.constant 0 : i32
      %dma_start3A_331 = tpu.memref_slice %arg5[%add3A_318, %dma_start3A_330] : memref<100x256xi32, #tpu.memory_space<vmem>> -> memref<1x256xi32, #tpu.memory_space<vmem>>
      %dma_start3A_332 = tpu.memref_squeeze %dma_start3A_331 : memref<1x256xi32, #tpu.memory_space<vmem>> -> memref<256xi32, #tpu.memory_space<vmem>>
      %dma_start3A_333 = arith.constant 0 : i32
      %dma_start3A_334 = arith.constant 0 : i32
      %dma_start3A_335 = tpu.memref_slice %arg3[%dma_start3A_333, %dma_start3A_334] : memref<1000000x64xf32, #tpu.memory_space<hbm>> -> memref<1000000x64xf32, #tpu.memory_space<hbm>>
      %dma_start3A_336 = tpu.memref_slice %arg7[%dma_start3A_325] : memref<5x!tpu.dma_semaphore, #tpu.memory_space<semaphore_mem>> -> memref<1x!tpu.dma_semaphore, #tpu.memory_space<semaphore_mem>>
      %dma_start3A_337 = tpu.memref_squeeze %dma_start3A_336 : memref<1x!tpu.dma_semaphore, #tpu.memory_space<semaphore_mem>> -> memref<!tpu.dma_semaphore, #tpu.memory_space<semaphore_mem>>
      tpu.enqueue_indirect_dma source(%dma_start3A_335 : memref<1000000x64xf32, #tpu.memory_space<hbm>>) target(%dma_start3A_329 : memref<256x64xf32, #tpu.memory_space<vmem>>) offsets(%dma_start3A_332 : memref<256xi32, #tpu.memory_space<vmem>>) semaphore(%dma_start3A_337 : memref<!tpu.dma_semaphore, #tpu.memory_space<semaphore_mem>>)
      %sub3A_338 = arith.constant 2 : i32
      %sub3A_339 = arith.subi %add3A_318, %sub3A_338 : i32
      %ge3A_340 = arith.constant 0 : i32
      %ge3A_341 = arith.cmpi sge, %sub3A_339, %ge3A_340 : i32
      %convert_element_type3A_342 = arith.extui %ge3A_341 : i1 to i32
      %cond3A_343 = arith.constant 0 : i32
      %cond3A_344 = arith.cmpi ne, %convert_element_type3A_342, %cond3A_343 : i32
      scf.if %cond3A_344 {
        %dma_wait3A_345 = arith.constant 0 : i32
        %dma_wait3A_346 = arith.constant 2 : i32
        %dma_wait3A_347 = arith.constant 2 : i32
        %dma_wait3A_348 = arith.constant 0 : i32
        %dma_wait3A_349 = arith.constant 0 : i32
        %dma_wait3A_350 = tpu.memref_slice %arg6[%dma_wait3A_346, %dma_wait3A_348, %dma_wait3A_349] : memref<5x256x64xf32, #tpu.memory_space<vmem>> -> memref<1x256x64xf32, #tpu.memory_space<vmem>>
        %dma_wait3A_351 = tpu.memref_squeeze %dma_wait3A_350 : memref<1x256x64xf32, #tpu.memory_space<vmem>> -> memref<256x64xf32, #tpu.memory_space<vmem>>
        %dma_wait3A_352 = arith.constant 0 : i32
        %dma_wait3A_353 = tpu.memref_slice %arg5[%dma_wait3A_345, %dma_wait3A_352] : memref<100x256xi32, #tpu.memory_space<vmem>> -> memref<1x256xi32, #tpu.memory_space<vmem>>
        %dma_wait3A_354 = tpu.memref_squeeze %dma_wait3A_353 : memref<1x256xi32, #tpu.memory_space<vmem>> -> memref<256xi32, #tpu.memory_space<vmem>>
        %dma_wait3A_355 = arith.constant 0 : i32
        %dma_wait3A_356 = arith.constant 0 : i32
        %dma_wait3A_357 = tpu.memref_slice %arg3[%dma_wait3A_355, %dma_wait3A_356] : memref<1000000x64xf32, #tpu.memory_space<hbm>> -> memref<1000000x64xf32, #tpu.memory_space<hbm>>
        %dma_wait3A_358 = tpu.memref_slice %arg7[%dma_wait3A_347] : memref<5x!tpu.dma_semaphore, #tpu.memory_space<semaphore_mem>> -> memref<1x!tpu.dma_semaphore, #tpu.memory_space<semaphore_mem>>
        %dma_wait3A_359 = tpu.memref_squeeze %dma_wait3A_358 : memref<1x!tpu.dma_semaphore, #tpu.memory_space<semaphore_mem>> -> memref<!tpu.dma_semaphore, #tpu.memory_space<semaphore_mem>>
        tpu.wait_indirect_dma semaphore(%dma_wait3A_359 : memref<!tpu.dma_semaphore, #tpu.memory_space<semaphore_mem>>) src(%dma_wait3A_357 : memref<1000000x64xf32, #tpu.memory_space<hbm>>) dst(%dma_wait3A_351 : memref<256x64xf32, #tpu.memory_space<vmem>>)
        %mul3A_360 = arith.constant 256 : i32
        %mul3A_361 = arith.muli %sub3A_339, %mul3A_360 : i32
        %add3A_362 = arith.addi %mul3A_2, %mul3A_361 : i32
        %dma_start3A_363 = arith.constant 2 : i32
        %dma_start3A_364 = arith.constant 2 : i32
        %dma_start3A_365 = arith.constant 0 : i32
        %dma_start3A_366 = arith.constant 0 : i32
        %dma_start3A_367 = tpu.memref_slice %arg6[%dma_start3A_363, %dma_start3A_365, %dma_start3A_366] : memref<5x256x64xf32, #tpu.memory_space<vmem>> -> memref<1x256x64xf32, #tpu.memory_space<vmem>>
        %dma_start3A_368 = tpu.memref_squeeze %dma_start3A_367 : memref<1x256x64xf32, #tpu.memory_space<vmem>> -> memref<256x64xf32, #tpu.memory_space<vmem>>
        %dma_start3A_369 = arith.constant 0 : i32
        %dma_start3A_370 = tpu.memref_slice %arg4[%add3A_362, %dma_start3A_369] : memref<819200x64xf32, #tpu.memory_space<hbm>> -> memref<256x64xf32, #tpu.memory_space<hbm>>
        %dma_start3A_371 = tpu.memref_slice %arg8[%dma_start3A_364] : memref<5x!tpu.dma_semaphore, #tpu.memory_space<semaphore_mem>> -> memref<1x!tpu.dma_semaphore, #tpu.memory_space<semaphore_mem>>
        %dma_start3A_372 = tpu.memref_squeeze %dma_start3A_371 : memref<1x!tpu.dma_semaphore, #tpu.memory_space<semaphore_mem>> -> memref<!tpu.dma_semaphore, #tpu.memory_space<semaphore_mem>>
        %dma_start3A_373 = arith.constant 0 : i32
        %dma_start3A_374 = tpu.memref_slice %arg4[%add3A_362, %dma_start3A_373] : memref<819200x64xf32, #tpu.memory_space<hbm>> -> memref<256x64xf32, #tpu.memory_space<hbm>>
        %dma_start3A_375 = arith.constant 0 : i32
        %dma_start3A_376 = arith.constant 0 : i32
        %dma_start3A_377 = tpu.memref_slice %arg6[%dma_start3A_363, %dma_start3A_375, %dma_start3A_376] : memref<5x256x64xf32, #tpu.memory_space<vmem>> -> memref<1x256x64xf32, #tpu.memory_space<vmem>>
        %dma_start3A_378 = tpu.memref_squeeze %dma_start3A_377 : memref<1x256x64xf32, #tpu.memory_space<vmem>> -> memref<256x64xf32, #tpu.memory_space<vmem>>
        tpu.enqueue_dma source(%dma_start3A_378 : memref<256x64xf32, #tpu.memory_space<vmem>>) target(%dma_start3A_374 : memref<256x64xf32, #tpu.memory_space<hbm>>) target_semaphore(%dma_start3A_372 : memref<!tpu.dma_semaphore, #tpu.memory_space<semaphore_mem>>)
      } else {
      }
    }
    %scan3A_47 = arith.constant 20 : i32
    %dma_wait3A_48 = arith.constant 0 : i32
    %dma_wait3A_49 = arith.constant 3 : i32
    %dma_wait3A_50 = arith.constant 3 : i32
    %dma_wait3A_51 = arith.constant 0 : i32
    %dma_wait3A_52 = arith.constant 0 : i32
    %dma_wait3A_53 = tpu.memref_slice %arg6[%dma_wait3A_49, %dma_wait3A_51, %dma_wait3A_52] : memref<5x256x64xf32, #tpu.memory_space<vmem>> -> memref<1x256x64xf32, #tpu.memory_space<vmem>>
    %dma_wait3A_54 = tpu.memref_squeeze %dma_wait3A_53 : memref<1x256x64xf32, #tpu.memory_space<vmem>> -> memref<256x64xf32, #tpu.memory_space<vmem>>
    %dma_wait3A_55 = arith.constant 0 : i32
    %dma_wait3A_56 = tpu.memref_slice %arg5[%dma_wait3A_48, %dma_wait3A_55] : memref<100x256xi32, #tpu.memory_space<vmem>> -> memref<1x256xi32, #tpu.memory_space<vmem>>
    %dma_wait3A_57 = tpu.memref_squeeze %dma_wait3A_56 : memref<1x256xi32, #tpu.memory_space<vmem>> -> memref<256xi32, #tpu.memory_space<vmem>>
    %dma_wait3A_58 = arith.constant 0 : i32
    %dma_wait3A_59 = arith.constant 0 : i32
    %dma_wait3A_60 = tpu.memref_slice %arg3[%dma_wait3A_58, %dma_wait3A_59] : memref<1000000x64xf32, #tpu.memory_space<hbm>> -> memref<1000000x64xf32, #tpu.memory_space<hbm>>
    %dma_wait3A_61 = tpu.memref_slice %arg7[%dma_wait3A_50] : memref<5x!tpu.dma_semaphore, #tpu.memory_space<semaphore_mem>> -> memref<1x!tpu.dma_semaphore, #tpu.memory_space<semaphore_mem>>
    %dma_wait3A_62 = tpu.memref_squeeze %dma_wait3A_61 : memref<1x!tpu.dma_semaphore, #tpu.memory_space<semaphore_mem>> -> memref<!tpu.dma_semaphore, #tpu.memory_space<semaphore_mem>>
    tpu.wait_indirect_dma semaphore(%dma_wait3A_62 : memref<!tpu.dma_semaphore, #tpu.memory_space<semaphore_mem>>) src(%dma_wait3A_60 : memref<1000000x64xf32, #tpu.memory_space<hbm>>) dst(%dma_wait3A_54 : memref<256x64xf32, #tpu.memory_space<vmem>>)
    %add3A_63 = arith.constant 25088 : i32
    %add3A_64 = arith.addi %mul3A_2, %add3A_63 : i32
    %dma_start3A_65 = arith.constant 3 : i32
    %dma_start3A_66 = arith.constant 3 : i32
    %dma_start3A_67 = arith.constant 0 : i32
    %dma_start3A_68 = arith.constant 0 : i32
    %dma_start3A_69 = tpu.memref_slice %arg6[%dma_start3A_65, %dma_start3A_67, %dma_start3A_68] : memref<5x256x64xf32, #tpu.memory_space<vmem>> -> memref<1x256x64xf32, #tpu.memory_space<vmem>>
    %dma_start3A_70 = tpu.memref_squeeze %dma_start3A_69 : memref<1x256x64xf32, #tpu.memory_space<vmem>> -> memref<256x64xf32, #tpu.memory_space<vmem>>
    %dma_start3A_71 = arith.constant 0 : i32
    %dma_start3A_72 = tpu.memref_slice %arg4[%add3A_64, %dma_start3A_71] : memref<819200x64xf32, #tpu.memory_space<hbm>> -> memref<256x64xf32, #tpu.memory_space<hbm>>
    %dma_start3A_73 = tpu.memref_slice %arg8[%dma_start3A_66] : memref<5x!tpu.dma_semaphore, #tpu.memory_space<semaphore_mem>> -> memref<1x!tpu.dma_semaphore, #tpu.memory_space<semaphore_mem>>
    %dma_start3A_74 = tpu.memref_squeeze %dma_start3A_73 : memref<1x!tpu.dma_semaphore, #tpu.memory_space<semaphore_mem>> -> memref<!tpu.dma_semaphore, #tpu.memory_space<semaphore_mem>>
    %dma_start3A_75 = arith.constant 0 : i32
    %dma_start3A_76 = tpu.memref_slice %arg4[%add3A_64, %dma_start3A_75] : memref<819200x64xf32, #tpu.memory_space<hbm>> -> memref<256x64xf32, #tpu.memory_space<hbm>>
    %dma_start3A_77 = arith.constant 0 : i32
    %dma_start3A_78 = arith.constant 0 : i32
    %dma_start3A_79 = tpu.memref_slice %arg6[%dma_start3A_65, %dma_start3A_77, %dma_start3A_78] : memref<5x256x64xf32, #tpu.memory_space<vmem>> -> memref<1x256x64xf32, #tpu.memory_space<vmem>>
    %dma_start3A_80 = tpu.memref_squeeze %dma_start3A_79 : memref<1x256x64xf32, #tpu.memory_space<vmem>> -> memref<256x64xf32, #tpu.memory_space<vmem>>
    tpu.enqueue_dma source(%dma_start3A_80 : memref<256x64xf32, #tpu.memory_space<vmem>>) target(%dma_start3A_76 : memref<256x64xf32, #tpu.memory_space<hbm>>) target_semaphore(%dma_start3A_74 : memref<!tpu.dma_semaphore, #tpu.memory_space<semaphore_mem>>)
    %dma_wait3A_81 = arith.constant 0 : i32
    %dma_wait3A_82 = arith.constant 4 : i32
    %dma_wait3A_83 = arith.constant 4 : i32
    %dma_wait3A_84 = arith.constant 0 : i32
    %dma_wait3A_85 = arith.constant 0 : i32
    %dma_wait3A_86 = tpu.memref_slice %arg6[%dma_wait3A_82, %dma_wait3A_84, %dma_wait3A_85] : memref<5x256x64xf32, #tpu.memory_space<vmem>> -> memref<1x256x64xf32, #tpu.memory_space<vmem>>
    %dma_wait3A_87 = tpu.memref_squeeze %dma_wait3A_86 : memref<1x256x64xf32, #tpu.memory_space<vmem>> -> memref<256x64xf32, #tpu.memory_space<vmem>>
    %dma_wait3A_88 = arith.constant 0 : i32
    %dma_wait3A_89 = tpu.memref_slice %arg5[%dma_wait3A_81, %dma_wait3A_88] : memref<100x256xi32, #tpu.memory_space<vmem>> -> memref<1x256xi32, #tpu.memory_space<vmem>>
    %dma_wait3A_90 = tpu.memref_squeeze %dma_wait3A_89 : memref<1x256xi32, #tpu.memory_space<vmem>> -> memref<256xi32, #tpu.memory_space<vmem>>
    %dma_wait3A_91 = arith.constant 0 : i32
    %dma_wait3A_92 = arith.constant 0 : i32
    %dma_wait3A_93 = tpu.memref_slice %arg3[%dma_wait3A_91, %dma_wait3A_92] : memref<1000000x64xf32, #tpu.memory_space<hbm>> -> memref<1000000x64xf32, #tpu.memory_space<hbm>>
    %dma_wait3A_94 = tpu.memref_slice %arg7[%dma_wait3A_83] : memref<5x!tpu.dma_semaphore, #tpu.memory_space<semaphore_mem>> -> memref<1x!tpu.dma_semaphore, #tpu.memory_space<semaphore_mem>>
    %dma_wait3A_95 = tpu.memref_squeeze %dma_wait3A_94 : memref<1x!tpu.dma_semaphore, #tpu.memory_space<semaphore_mem>> -> memref<!tpu.dma_semaphore, #tpu.memory_space<semaphore_mem>>
    tpu.wait_indirect_dma semaphore(%dma_wait3A_95 : memref<!tpu.dma_semaphore, #tpu.memory_space<semaphore_mem>>) src(%dma_wait3A_93 : memref<1000000x64xf32, #tpu.memory_space<hbm>>) dst(%dma_wait3A_87 : memref<256x64xf32, #tpu.memory_space<vmem>>)
    %add3A_96 = arith.constant 25344 : i32
    %add3A_97 = arith.addi %mul3A_2, %add3A_96 : i32
    %dma_start3A_98 = arith.constant 4 : i32
    %dma_start3A_99 = arith.constant 4 : i32
    %dma_start3A_100 = arith.constant 0 : i32
    %dma_start3A_101 = arith.constant 0 : i32
    %dma_start3A_102 = tpu.memref_slice %arg6[%dma_start3A_98, %dma_start3A_100, %dma_start3A_101] : memref<5x256x64xf32, #tpu.memory_space<vmem>> -> memref<1x256x64xf32, #tpu.memory_space<vmem>>
    %dma_start3A_103 = tpu.memref_squeeze %dma_start3A_102 : memref<1x256x64xf32, #tpu.memory_space<vmem>> -> memref<256x64xf32, #tpu.memory_space<vmem>>
    %dma_start3A_104 = arith.constant 0 : i32
    %dma_start3A_105 = tpu.memref_slice %arg4[%add3A_97, %dma_start3A_104] : memref<819200x64xf32, #tpu.memory_space<hbm>> -> memref<256x64xf32, #tpu.memory_space<hbm>>
    %dma_start3A_106 = tpu.memref_slice %arg8[%dma_start3A_99] : memref<5x!tpu.dma_semaphore, #tpu.memory_space<semaphore_mem>> -> memref<1x!tpu.dma_semaphore, #tpu.memory_space<semaphore_mem>>
    %dma_start3A_107 = tpu.memref_squeeze %dma_start3A_106 : memref<1x!tpu.dma_semaphore, #tpu.memory_space<semaphore_mem>> -> memref<!tpu.dma_semaphore, #tpu.memory_space<semaphore_mem>>
    %dma_start3A_108 = arith.constant 0 : i32
    %dma_start3A_109 = tpu.memref_slice %arg4[%add3A_97, %dma_start3A_108] : memref<819200x64xf32, #tpu.memory_space<hbm>> -> memref<256x64xf32, #tpu.memory_space<hbm>>
    %dma_start3A_110 = arith.constant 0 : i32
    %dma_start3A_111 = arith.constant 0 : i32
    %dma_start3A_112 = tpu.memref_slice %arg6[%dma_start3A_98, %dma_start3A_110, %dma_start3A_111] : memref<5x256x64xf32, #tpu.memory_space<vmem>> -> memref<1x256x64xf32, #tpu.memory_space<vmem>>
    %dma_start3A_113 = tpu.memref_squeeze %dma_start3A_112 : memref<1x256x64xf32, #tpu.memory_space<vmem>> -> memref<256x64xf32, #tpu.memory_space<vmem>>
    tpu.enqueue_dma source(%dma_start3A_113 : memref<256x64xf32, #tpu.memory_space<vmem>>) target(%dma_start3A_109 : memref<256x64xf32, #tpu.memory_space<hbm>>) target_semaphore(%dma_start3A_107 : memref<!tpu.dma_semaphore, #tpu.memory_space<semaphore_mem>>)
    %dma_wait3A_114 = arith.constant 0 : i32
    %dma_wait3A_115 = arith.constant 0 : i32
    %dma_wait3A_116 = arith.constant 0 : i32
    %dma_wait3A_117 = arith.constant 0 : i32
    %dma_wait3A_118 = tpu.memref_slice %arg6[%dma_wait3A_114, %dma_wait3A_116, %dma_wait3A_117] : memref<5x256x64xf32, #tpu.memory_space<vmem>> -> memref<1x256x64xf32, #tpu.memory_space<vmem>>
    %dma_wait3A_119 = tpu.memref_squeeze %dma_wait3A_118 : memref<1x256x64xf32, #tpu.memory_space<vmem>> -> memref<256x64xf32, #tpu.memory_space<vmem>>
    %dma_wait3A_120 = arith.constant 0 : i32
    %dma_wait3A_121 = tpu.memref_slice %arg4[%mul3A_2, %dma_wait3A_120] : memref<819200x64xf32, #tpu.memory_space<hbm>> -> memref<256x64xf32, #tpu.memory_space<hbm>>
    %dma_wait3A_122 = tpu.memref_slice %arg8[%dma_wait3A_115] : memref<5x!tpu.dma_semaphore, #tpu.memory_space<semaphore_mem>> -> memref<1x!tpu.dma_semaphore, #tpu.memory_space<semaphore_mem>>
    %dma_wait3A_123 = tpu.memref_squeeze %dma_wait3A_122 : memref<1x!tpu.dma_semaphore, #tpu.memory_space<semaphore_mem>> -> memref<!tpu.dma_semaphore, #tpu.memory_space<semaphore_mem>>
    %dma_wait3A_124 = arith.constant 0 : i32
    %dma_wait3A_125 = tpu.memref_slice %arg4[%mul3A_2, %dma_wait3A_124] : memref<819200x64xf32, #tpu.memory_space<hbm>> -> memref<256x64xf32, #tpu.memory_space<hbm>>
    %dma_wait3A_126 = arith.constant 0 : i32
    %dma_wait3A_127 = arith.constant 0 : i32
    %dma_wait3A_128 = tpu.memref_slice %arg6[%dma_wait3A_114, %dma_wait3A_126, %dma_wait3A_127] : memref<5x256x64xf32, #tpu.memory_space<vmem>> -> memref<1x256x64xf32, #tpu.memory_space<vmem>>
    %dma_wait3A_129 = tpu.memref_squeeze %dma_wait3A_128 : memref<1x256x64xf32, #tpu.memory_space<vmem>> -> memref<256x64xf32, #tpu.memory_space<vmem>>
    tpu.wait_dma2 semaphore(%dma_wait3A_123 : memref<!tpu.dma_semaphore, #tpu.memory_space<semaphore_mem>>) src(%dma_wait3A_129 : memref<256x64xf32, #tpu.memory_space<vmem>>) dst(%dma_wait3A_125 : memref<256x64xf32, #tpu.memory_space<hbm>>)
    %dma_wait3A_130 = arith.constant 1 : i32
    %dma_wait3A_131 = arith.constant 1 : i32
    %dma_wait3A_132 = arith.constant 0 : i32
    %dma_wait3A_133 = arith.constant 0 : i32
    %dma_wait3A_134 = tpu.memref_slice %arg6[%dma_wait3A_130, %dma_wait3A_132, %dma_wait3A_133] : memref<5x256x64xf32, #tpu.memory_space<vmem>> -> memref<1x256x64xf32, #tpu.memory_space<vmem>>
    %dma_wait3A_135 = tpu.memref_squeeze %dma_wait3A_134 : memref<1x256x64xf32, #tpu.memory_space<vmem>> -> memref<256x64xf32, #tpu.memory_space<vmem>>
    %dma_wait3A_136 = arith.constant 0 : i32
    %dma_wait3A_137 = tpu.memref_slice %arg4[%mul3A_2, %dma_wait3A_136] : memref<819200x64xf32, #tpu.memory_space<hbm>> -> memref<256x64xf32, #tpu.memory_space<hbm>>
    %dma_wait3A_138 = tpu.memref_slice %arg8[%dma_wait3A_131] : memref<5x!tpu.dma_semaphore, #tpu.memory_space<semaphore_mem>> -> memref<1x!tpu.dma_semaphore, #tpu.memory_space<semaphore_mem>>
    %dma_wait3A_139 = tpu.memref_squeeze %dma_wait3A_138 : memref<1x!tpu.dma_semaphore, #tpu.memory_space<semaphore_mem>> -> memref<!tpu.dma_semaphore, #tpu.memory_space<semaphore_mem>>
    %dma_wait3A_140 = arith.constant 0 : i32
    %dma_wait3A_141 = tpu.memref_slice %arg4[%mul3A_2, %dma_wait3A_140] : memref<819200x64xf32, #tpu.memory_space<hbm>> -> memref<256x64xf32, #tpu.memory_space<hbm>>
    %dma_wait3A_142 = arith.constant 0 : i32
    %dma_wait3A_143 = arith.constant 0 : i32
    %dma_wait3A_144 = tpu.memref_slice %arg6[%dma_wait3A_130, %dma_wait3A_142, %dma_wait3A_143] : memref<5x256x64xf32, #tpu.memory_space<vmem>> -> memref<1x256x64xf32, #tpu.memory_space<vmem>>
    %dma_wait3A_145 = tpu.memref_squeeze %dma_wait3A_144 : memref<1x256x64xf32, #tpu.memory_space<vmem>> -> memref<256x64xf32, #tpu.memory_space<vmem>>
    tpu.wait_dma2 semaphore(%dma_wait3A_139 : memref<!tpu.dma_semaphore, #tpu.memory_space<semaphore_mem>>) src(%dma_wait3A_145 : memref<256x64xf32, #tpu.memory_space<vmem>>) dst(%dma_wait3A_141 : memref<256x64xf32, #tpu.memory_space<hbm>>)
    %dma_wait3A_146 = arith.constant 2 : i32
    %dma_wait3A_147 = arith.constant 2 : i32
    %dma_wait3A_148 = arith.constant 0 : i32
    %dma_wait3A_149 = arith.constant 0 : i32
    %dma_wait3A_150 = tpu.memref_slice %arg6[%dma_wait3A_146, %dma_wait3A_148, %dma_wait3A_149] : memref<5x256x64xf32, #tpu.memory_space<vmem>> -> memref<1x256x64xf32, #tpu.memory_space<vmem>>
    %dma_wait3A_151 = tpu.memref_squeeze %dma_wait3A_150 : memref<1x256x64xf32, #tpu.memory_space<vmem>> -> memref<256x64xf32, #tpu.memory_space<vmem>>
    %dma_wait3A_152 = arith.constant 0 : i32
    %dma_wait3A_153 = tpu.memref_slice %arg4[%mul3A_2, %dma_wait3A_152] : memref<819200x64xf32, #tpu.memory_space<hbm>> -> memref<256x64xf32, #tpu.memory_space<hbm>>
    %dma_wait3A_154 = tpu.memref_slice %arg8[%dma_wait3A_147] : memref<5x!tpu.dma_semaphore, #tpu.memory_space<semaphore_mem>> -> memref<1x!tpu.dma_semaphore, #tpu.memory_space<semaphore_mem>>
    %dma_wait3A_155 = tpu.memref_squeeze %dma_wait3A_154 : memref<1x!tpu.dma_semaphore, #tpu.memory_space<semaphore_mem>> -> memref<!tpu.dma_semaphore, #tpu.memory_space<semaphore_mem>>
    %dma_wait3A_156 = arith.constant 0 : i32
    %dma_wait3A_157 = tpu.memref_slice %arg4[%mul3A_2, %dma_wait3A_156] : memref<819200x64xf32, #tpu.memory_space<hbm>> -> memref<256x64xf32, #tpu.memory_space<hbm>>
    %dma_wait3A_158 = arith.constant 0 : i32
    %dma_wait3A_159 = arith.constant 0 : i32
    %dma_wait3A_160 = tpu.memref_slice %arg6[%dma_wait3A_146, %dma_wait3A_158, %dma_wait3A_159] : memref<5x256x64xf32, #tpu.memory_space<vmem>> -> memref<1x256x64xf32, #tpu.memory_space<vmem>>
    %dma_wait3A_161 = tpu.memref_squeeze %dma_wait3A_160 : memref<1x256x64xf32, #tpu.memory_space<vmem>> -> memref<256x64xf32, #tpu.memory_space<vmem>>
    tpu.wait_dma2 semaphore(%dma_wait3A_155 : memref<!tpu.dma_semaphore, #tpu.memory_space<semaphore_mem>>) src(%dma_wait3A_161 : memref<256x64xf32, #tpu.memory_space<vmem>>) dst(%dma_wait3A_157 : memref<256x64xf32, #tpu.memory_space<hbm>>)
    %dma_wait3A_162 = arith.constant 3 : i32
    %dma_wait3A_163 = arith.constant 3 : i32
    %dma_wait3A_164 = arith.constant 0 : i32
    %dma_wait3A_165 = arith.constant 0 : i32
    %dma_wait3A_166 = tpu.memref_slice %arg6[%dma_wait3A_162, %dma_wait3A_164, %dma_wait3A_165] : memref<5x256x64xf32, #tpu.memory_space<vmem>> -> memref<1x256x64xf32, #tpu.memory_space<vmem>>
    %dma_wait3A_167 = tpu.memref_squeeze %dma_wait3A_166 : memref<1x256x64xf32, #tpu.memory_space<vmem>> -> memref<256x64xf32, #tpu.memory_space<vmem>>
    %dma_wait3A_168 = arith.constant 0 : i32
    %dma_wait3A_169 = tpu.memref_slice %arg4[%mul3A_2, %dma_wait3A_168] : memref<819200x64xf32, #tpu.memory_space<hbm>> -> memref<256x64xf32, #tpu.memory_space<hbm>>
    %dma_wait3A_170 = tpu.memref_slice %arg8[%dma_wait3A_163] : memref<5x!tpu.dma_semaphore, #tpu.memory_space<semaphore_mem>> -> memref<1x!tpu.dma_semaphore, #tpu.memory_space<semaphore_mem>>
    %dma_wait3A_171 = tpu.memref_squeeze %dma_wait3A_170 : memref<1x!tpu.dma_semaphore, #tpu.memory_space<semaphore_mem>> -> memref<!tpu.dma_semaphore, #tpu.memory_space<semaphore_mem>>
    %dma_wait3A_172 = arith.constant 0 : i32
    %dma_wait3A_173 = tpu.memref_slice %arg4[%mul3A_2, %dma_wait3A_172] : memref<819200x64xf32, #tpu.memory_space<hbm>> -> memref<256x64xf32, #tpu.memory_space<hbm>>
    %dma_wait3A_174 = arith.constant 0 : i32
    %dma_wait3A_175 = arith.constant 0 : i32
    %dma_wait3A_176 = tpu.memref_slice %arg6[%dma_wait3A_162, %dma_wait3A_174, %dma_wait3A_175] : memref<5x256x64xf32, #tpu.memory_space<vmem>> -> memref<1x256x64xf32, #tpu.memory_space<vmem>>
    %dma_wait3A_177 = tpu.memref_squeeze %dma_wait3A_176 : memref<1x256x64xf32, #tpu.memory_space<vmem>> -> memref<256x64xf32, #tpu.memory_space<vmem>>
    tpu.wait_dma2 semaphore(%dma_wait3A_171 : memref<!tpu.dma_semaphore, #tpu.memory_space<semaphore_mem>>) src(%dma_wait3A_177 : memref<256x64xf32, #tpu.memory_space<vmem>>) dst(%dma_wait3A_173 : memref<256x64xf32, #tpu.memory_space<hbm>>)
    %dma_wait3A_178 = arith.constant 4 : i32
    %dma_wait3A_179 = arith.constant 4 : i32
    %dma_wait3A_180 = arith.constant 0 : i32
    %dma_wait3A_181 = arith.constant 0 : i32
    %dma_wait3A_182 = tpu.memref_slice %arg6[%dma_wait3A_178, %dma_wait3A_180, %dma_wait3A_181] : memref<5x256x64xf32, #tpu.memory_space<vmem>> -> memref<1x256x64xf32, #tpu.memory_space<vmem>>
    %dma_wait3A_183 = tpu.memref_squeeze %dma_wait3A_182 : memref<1x256x64xf32, #tpu.memory_space<vmem>> -> memref<256x64xf32, #tpu.memory_space<vmem>>
    %dma_wait3A_184 = arith.constant 0 : i32
    %dma_wait3A_185 = tpu.memref_slice %arg4[%mul3A_2, %dma_wait3A_184] : memref<819200x64xf32, #tpu.memory_space<hbm>> -> memref<256x64xf32, #tpu.memory_space<hbm>>
    %dma_wait3A_186 = tpu.memref_slice %arg8[%dma_wait3A_179] : memref<5x!tpu.dma_semaphore, #tpu.memory_space<semaphore_mem>> -> memref<1x!tpu.dma_semaphore, #tpu.memory_space<semaphore_mem>>
    %dma_wait3A_187 = tpu.memref_squeeze %dma_wait3A_186 : memref<1x!tpu.dma_semaphore, #tpu.memory_space<semaphore_mem>> -> memref<!tpu.dma_semaphore, #tpu.memory_space<semaphore_mem>>
    %dma_wait3A_188 = arith.constant 0 : i32
    %dma_wait3A_189 = tpu.memref_slice %arg4[%mul3A_2, %dma_wait3A_188] : memref<819200x64xf32, #tpu.memory_space<hbm>> -> memref<256x64xf32, #tpu.memory_space<hbm>>
    %dma_wait3A_190 = arith.constant 0 : i32
    %dma_wait3A_191 = arith.constant 0 : i32
    %dma_wait3A_192 = tpu.memref_slice %arg6[%dma_wait3A_178, %dma_wait3A_190, %dma_wait3A_191] : memref<5x256x64xf32, #tpu.memory_space<vmem>> -> memref<1x256x64xf32, #tpu.memory_space<vmem>>
    %dma_wait3A_193 = tpu.memref_squeeze %dma_wait3A_192 : memref<1x256x64xf32, #tpu.memory_space<vmem>> -> memref<256x64xf32, #tpu.memory_space<vmem>>
    tpu.wait_dma2 semaphore(%dma_wait3A_187 : memref<!tpu.dma_semaphore, #tpu.memory_space<semaphore_mem>>) src(%dma_wait3A_193 : memref<256x64xf32, #tpu.memory_space<vmem>>) dst(%dma_wait3A_189 : memref<256x64xf32, #tpu.memory_space<hbm>>)
    return
  }
}

</mosaic_0001>

<sc_bundles>
// kernel: kernel.3.cloned.1.call-start
scs
__scs_entry_jumppad:
0x0: {  	(pc) =	sbr.rel $0x88, $3  }
0x1: {  	(tag) =	ssettag $0x0;
	lr =	simm.s32 $0x1  }
0x2: {  	[smem:$0x3F9F] =	sst lr;
	_ =	strace $0xD0000000  }
0x3: {  	_ = 	snop  }
0x4: {  	_ = 	snop  }
0x5: {  	_ = 	snop  }
0x6: {  	_ = 	snop  }
0x7: {  	_ = 	snop  }
__scs_overlays_trampoline_lowered:
0x8: {  	[smem:$0x3FAE] =	sst s0  }
0x9: {  	[smem:$0x3FAF] =	sst s1  }
0xa: {  	[smem:$0x3FB0] =	sst s2  }
0xb: {  	[smem:$0x3FB1] =	sst s3  }
0xc: {  	[smem:$0x3FB2] =	sst s4  }
0xd: {  	[smem:$0x3FB3] =	sst s5  }
0xe: {  	[smem:$0x3FB4] =	sst s6  }
0xf: {  	[smem:$0x3FB5] =	sst s7  }
0x10: {  	[smem:$0x3FB6] =	sst s8  }
0x11: {  	[smem:$0x3FB7] =	sst s9;
	s0 =	simm.s32 @!p0 $0x0  }
0x12: {  	s1 =	sld [smem:$0x3F9D];
	s0 =	simm.s32 @p0 $0x1  }
0x13: {  	[smem:$0x3FB8] =	sst s0;
	s0 =	simm.s32 @!p1 $0x0  }
0x14: {  	s2 =	sld [smem:$0x3F9C];
	s0 =	simm.s32 @p1 $0x1  }
0x15: {  	[smem:$0x3FB9] =	sst s0;
	s0 =	simm.s32 @!p2 $0x0  }
0x16: {  	s3 =	sld [smem:$0x3FDB];
	s0 =	simm.s32 @p2 $0x1  }
0x17: {  	s4 =	simm.s32 $0x1BF5;
	[smem:$0x3FBB] =	sst s0  }
0x18: {  	s0 =	sld [smem:$0x3F9E];
	_ =	swait.ge [sflag:s4], $0x0  }
0x19: {  	s7 =	sld [smem:$0x3F9F]  }
0x1a: {  	s8 =	sadd.s32 $0xFFFFE003, lr  }
0x1b: {  	s9 =	sadd.s32 $0xFFFFFEF7, lr;
	s5 =	simm.s32 $0xFFFFFFFF;
	p2 =	slt.u32 s8, $0xFFFFF086  }
0x1c: {  	p1 =	slt.u32 s9, $0xF7A;
	s5 =	simm.s32 @!p2 $0x0  }
0x1d: {  	s5 =	simm.s32 @p1 $0x1;
	p0 =	seq.s32 s7, s2  }
0x1e: {  	s7 =	smul.u32 @!p0 $0xF7A, s2;
	p2 =	seq.s32 @!p0 s5, $0x0  }
0x1f: {  	s9 =	smul.u32 $0xF7A, s1;
	s8 =	simm.s32 @!p0 $0x1BF5;
	p2 =	por !p2, p0  }
0x20: {  	[sflag:s8] =	ssyncset.s32 @!p0 $0xFFFFF086;
	s6 =	sadd.s32 @!p0 s3, s7;
	s7 =	simm.s32 @!p0 $0x108  }
0x21: {  	s3 =	sadd.s32 s3, s9;
	s6 =	sadd.s32 @!p0 $0x88, s6;
	s7 =	simm.s32 @p2 $0x1082  }
0x22: {  	[simem:s7], [sflag:s8] =	dma.local @!p0 [hbm:s6], $0xF7A  }
0x23: {  	s9 =	sor.u32 $0xD0000000, s2;
	s6 =	simm.s32 $0x108;
	_ =	swait.ge @!p0 [sflag:s8], $0x0  }
0x24: {  	s3 =	sadd.s32 $0x88, s3;
	s6 =	simm.s32 @!p1 $0x1082;
	[sflag:s4] =	ssyncset.s32 $0xFFFFF086  }
0x25: {  	[simem:s6], [sflag:s4] =	dma.local [hbm:s3], $0xF7A  }
0x26: {  	[smem:$0x3F9F] =	sst s1;
	(tag) =	ssettag s2;
	_ =	strace s9  }
0x27: {  	s1 =	sld [smem:$0x3FAF]  }
0x28: {  	s2 =	sld [smem:$0x3FB0]  }
0x29: {  	s4 =	sld [smem:$0x3FB2]  }
0x2a: {  	p0 =	seq.s32 s5, $0x0;
	s5 =	sld [smem:$0x3FB3]  }
0x2b: {  	s6 =	sld [smem:$0x3FB4]  }
0x2c: {  	s7 =	sld [smem:$0x3FB5]  }
0x2d: {  	s3 =	simm.s32 $0x108;
	s8 =	sld [smem:$0x3FB6]  }
0x2e: {  	s3 =	simm.s32 @!p0 $0x1082;
	s9 =	sld [smem:$0x3FB7]  }
0x2f: {  	lr =	sadd.s32 s0, s3;
	s0 =	sld [smem:$0x3FAE]  }
0x30: {  	s3 =	sld [smem:$0x3FB1]  }
0x31: {  	[smem:$0x3FBA] =	sst s10  }
0x32: {  	s10 =	sld [smem:$0x3FB8];
	_ =	sdelay $0x3  }
0x33: {  	p0 =	seq.s32 s10, $0x1;
	s10 =	sld [smem:$0x3FBA];
	_ =	sdelay $0x3  }
0x34: {  	[smem:$0x3FBA] =	sst s10  }
0x35: {  	s10 =	sld [smem:$0x3FB9];
	_ =	sdelay $0x3  }
0x36: {  	p1 =	seq.s32 s10, $0x1;
	s10 =	sld [smem:$0x3FBA];
	_ =	sdelay $0x3  }
0x37: {  	[smem:$0x3FBA] =	sst s10  }
0x38: {  	s10 =	sld [smem:$0x3FBB]  }
0x39: {  	_ = 	snop;
	(pc) =	sbr.ind lr, $3  }
0x3a: {  	_ = 	snop  }
0x3b: {  	_ = 	snop  }
0x3c: {  	p2 =	seq.s32 s10, $0x1;
	s10 =	sld [smem:$0x3FBA]  }
0x3d: {  	_ =	shalt  }
0x3e: {  	_ =	shalt  }
0x3f: {  	_ =	shalt  }
0x40: {  	_ =	shalt  }
0x41: {  	_ =	shalt  }
0x42: {  	_ =	shalt  }
0x43: {  	_ =	shalt  }
0x44: {  	_ =	shalt  }
0x45: {  	_ =	shalt  }
0x46: {  	_ =	shalt  }
0x47: {  	_ =	shalt  }
0x48: {  	_ =	shalt  }
0x49: {  	_ =	shalt  }
0x4a: {  	_ =	shalt  }
0x4b: {  	_ =	shalt  }
0x4c: {  	_ =	shalt  }
0x4d: {  	_ =	shalt  }
0x4e: {  	_ =	shalt  }
0x4f: {  	_ =	shalt  }
0x50: {  	_ =	shalt  }
0x51: {  	_ =	shalt  }
0x52: {  	_ =	shalt  }
0x53: {  	_ =	shalt  }
0x54: {  	_ =	shalt  }
0x55: {  	_ =	shalt  }
0x56: {  	_ =	shalt  }
0x57: {  	_ =	shalt  }
0x58: {  	_ =	shalt  }
0x59: {  	_ =	shalt  }
0x5a: {  	_ =	shalt  }
0x5b: {  	_ =	shalt  }
0x5c: {  	_ =	shalt  }
0x5d: {  	_ =	shalt  }
0x5e: {  	_ =	shalt  }
0x5f: {  	_ =	shalt  }
0x60: {  	_ =	shalt  }
0x61: {  	_ =	shalt  }
0x62: {  	_ =	shalt  }
0x63: {  	_ =	shalt  }
0x64: {  	_ =	shalt  }
0x65: {  	_ =	shalt  }
0x66: {  	_ =	shalt  }
0x67: {  	_ =	shalt  }
0x68: {  	_ =	shalt  }
0x69: {  	_ =	shalt  }
0x6a: {  	_ =	shalt  }
0x6b: {  	_ =	shalt  }
0x6c: {  	_ =	shalt  }
0x6d: {  	_ =	shalt  }
0x6e: {  	_ =	shalt  }
0x6f: {  	_ =	shalt  }
0x70: {  	_ =	shalt  }
0x71: {  	_ =	shalt  }
0x72: {  	_ =	shalt  }
0x73: {  	_ =	shalt  }
0x74: {  	_ =	shalt  }
0x75: {  	_ =	shalt  }
0x76: {  	_ =	shalt  }
0x77: {  	_ =	shalt  }
0x78: {  	_ =	shalt  }
0x79: {  	_ =	shalt  }
0x7a: {  	_ =	shalt  }
0x7b: {  	_ =	shalt  }
0x7c: {  	_ =	shalt  }
0x7d: {  	_ =	shalt  }
0x7e: {  	_ =	shalt  }
0x7f: {  	_ =	shalt  }
0x80: {  	_ =	shalt  }
0x81: {  	_ =	shalt  }
0x82: {  	_ =	shalt  }
0x83: {  	_ =	shalt  }
0x84: {  	_ =	shalt  }
0x85: {  	_ =	shalt  }
0x86: {  	_ =	shalt  }
0x87: {  	_ =	shalt  }
.Lfunc_end0:
.L_simem_size_0:
called_computation.1_lowered:
.L_overlay_start_0:
0x88: {  	s2 =	sld [smem:$0x3FD9]  }
0x89: {  	s3 =	sld [smem:$0x3FFE];
	_ =	sdelay $0x1  }
0x8a: {  	s1 =	srdreg.scid  }
0x8b: {  	s0 =	sand.u32 $0x1, s1  }
0x8c: {  	s17 =	sshll.u32 s0, $0xA;
	s2 =	sadd.s32 s3, s2  }
0x8d: {  	s2 =	sadd.s32 s2, s17  }
0x8e: {  	[smem:$0x3FC6] =	sst s2  }
0x8f: {  	_ = 	snop  }
0x90: {  	s2 =	sld [smem:$0x3FD0];
	(tm) =	ssettm $0x1  }
0x91: {  	s18 =	sld [smem:$0x3FFB];
	_ =	sdelay $0x3  }
0x92: {  	_ =	strace s18  }
0x93: {  	s3 =	sld [smem:$0x3FFC];
	_ =	sdelay $0x3  }
0x94: {  	_ =	strace s3  }
0x95: {  	s3 =	sld [smem:$0x3FFD];
	_ =	sdelay $0x3  }
0x96: {  	_ =	strace s3  }
0x97: {  	_ =	strace $0x8FFFFFFF  }
0x98: {  	s19 =	sld [smem:$0x3FDB];
	_ =	sdelay $0x1  }
0x99: {  	s4 =	simm.s32 $_scs_section_size  }
0x9a: {  	s5 =	simm.s32 $_size__tile_overlayer_lowered;
	s6 =	simm.s32 $_tile_overlayer_lowered  }
0x9b: {  	s22 =	simm.s32 $0x1BFF;
	s21 =	sshll.u32 s6, $0x1;
	s3 =	sadd.s32 s4, s19  }
0x9c: {  	s7 =	simm.s32 $0x0;
	s20 =	sshll.u32 s5, $0x1;
	s5 =	sadd.s32 s21, s3  }
0x9d: {  	[timem:s7], [sflag:s22] =	dma.local [hbm:s5], s20  }
0x9e: {  	_ =	swait.ge [sflag:s22], s20  }
0x9f: {  	s4 =	ssub.s32 $0x0, s20;
	[sflag:s22] =	ssyncset.done $0x0  }
0xa0: {  	[sflag:s22] =	ssyncadd.s32 s4;
	_ =	sdelay $0x1  }
0xa1: {  	s23 =	simm.s32 $0x1B8B  }
0xa2: {  	_ =	swait.ge [sflag:s23], $0x1  }
0xa3: {  	[sflag:s23] =	ssyncset.done $0x0  }
0xa4: {  	s25 =	simm.s32 $0x1B8E;
	s24 =	sld [smem:$0x3FFE];
	[sflag:s23] =	ssyncadd.s32 $0xFFFFFFFF  }
0xa5: {  	s26 =	simm.s32 $execute0_lowered;
	[smem:$0x3FD2] =	sst s25  }
0xa6: {  	s5 =	sshll.u32 s26, $0x1;
	_ =	strace $0x80000046;
	[dreg:$0x1] =	wrdreg $0xFFFFFFFF  }
0xa7: {  	s28 =	simm.s32 $_size_execute0_lowered;
	s3 =	sadd.s32 s3, s5;
	[dreg:$0x0] =	wrdreg $0x0  }
0xa8: {  	s5 =	sshll.u32 s28, $0x1;
	[dreg:$0x2] =	wrdreg s3  }
0xa9: {  	[dreg:$0x3] =	wrdreg s5  }
0xaa: {  	[dreg:$0x4] =	wrdreg $0xC0  }
0xab: {  	_ =	task [dreg:s7], $0x5FFFF  }
0xac: {  	[dreg:$0x1] =	wrdreg $0xFFFFFFFF  }
0xad: {  	[dreg:$0x0] =	wrdreg $0x60  }
0xae: {  	[dreg:$0x2] =	wrdreg s24  }
0xaf: {  	[dreg:$0x3] =	wrdreg s2  }
0xb0: {  	[dreg:$0x4] =	wrdreg $0x9  }
0xb1: {  	_ =	task.clear_ibuf [dreg:s7], $0x5FFFF;
	_ =	strace $0x90000046  }
0xb2: {  	s29 =	simm.s32 $0x9;
	_ =	strace $0x80000048  }
0xb3: {  	_ =	swait.ge [sflag:s29], $0x1  }
0xb4: {  	[sflag:s29] =	ssyncadd.s32 $0xFFFFFFFF  }
0xb5: {  	_ =	strace $0x90000048  }
0xb6: {  	_ =	sfence  }
0xb7: {  	s30 =	sld [smem:$0x0];
	_ =	sdelay $0x2  }
0xb8: {  	s31 =	sshll.u32 s1, $0xD;
	s1 =	sshrl.u32 s1, $0x2  }
0xb9: {  	s3 =	sand.u32 $0x4000, s31;
	s1 =	sadd.s32 s1, s30  }
0xba: {  	s0 =	sor.u32 s3, s0;
	s1 =	sshll.u32 s1, $0x11  }
0xbb: {  	s0 =	sor.u32 s1, s0  }
0xbc: {  	s0 =	sadd.s32 $0x8F2B, s0  }
0xbd: {  	[sflag:s0] =	ssyncadd.remote.s32 $0x1  }
0xbe: {  	_ =	sfence.sel $0xFFFF  }
0xbf: {  	[dreg:$0x0] =	wrdreg $0xFFFFFFFF;
	(pc) =	sbr.abs _section_cstart, $3  }
0xc0: {  	[dreg:$0x1] =	wrdreg $0xFFFFFFFF  }
0xc1: {  	_ =	task.clear_ibuf [dreg:s7], $0x2FFFF;
	_ =	strace $0x9FFFFFFF  }
0xc2: {  	(tm) =	ssettm $0x7FFFFFFF  }
0xc3: {  	_ =	shalt  }
tec
execute0_lowered:
.L_overlay_start_1:
0x0: {  	(tag) =	ssettag $0x1  }
0x1: {  	s0 =	srdreg.scid;
	s1 =	rddreg [dreg:$0x0]  }
0x2: {  	s9 =	stileid.u32;
	s2 =	rddreg [dreg:$0x1];
	s13 =	simm.s32 $0xB  }
0x3: {  	s14 =	simm.s32 $0x6400;
	s15 =	simm.s32 $0xA400;
	s16 =	simm.s32 $0x100  }
0x4: {  	s17 =	simm.s32 $0xE400;
	s18 =	simm.s32 $0x1;
	s19 =	simm.s32 $0x12400  }
0x5: {  	s20 =	simm.s32 $0x2;
	s21 =	simm.s32 $0x16400;
	s22 =	simm.s32 $0x3  }
0x6: {  	s28 =	simm.s32 $0x8;
	s29 =	simm.s32 $0x9;
	s30 =	simm.s32 $0xA  }
0x7: {  	s0 =	sand.u32 $0x1, s0;
	s3 =	sshll.u32 s9, $0x1;
	s9 =	smul.u32 $0x320000, s9  }
0x8: {  	s5 =	sor.u32 s0, s3;
	s7 =	ssub.s32 $0x2, s0;
	s0 =	smul.u32 $0x190000, s0  }
0x9: {  	s31 =	simm.s32 $0x0;
	s3 =	simm.s32 $0x0;
	s4 =	smul.u32 $0x6400, s5  }
0xa: {  	[smem:$0x7FF] =	sst s3;
	s8 =	smul.u32 $0x190000, s5;
	s5 =	sadd.s32 $0xF42E00, s1  }
0xb: {  	s23 =	sshrl.u32 s7, $0x1;
	_ =	strace $0x80000047;
	s6 =	sshrl.u32 s4, $0x3  }
0xc: {  	s0 =	sadd.s32 s0, s9;
	s24 =	sshrl.u32 s8, $0x3;
	s6 =	sadd.s32 s6, s1  }
0xd: {  	s1 =	ssub.s32 s7, s23;
	s26 =	sadd.s32 s2, s24;
	s25 =	sadd.s32 $0xA00, s6  }
.Ltmp0:
0xe: {  	s6 =	sadd.s32 $0x1040, s6;
	[dreg:$0x3] =	wrdreg s25;
	(pc) =	sbr.rel .LBB2_1-.Ltmp0, $4  }
0xf: {  	s23 =	simm.s32 $0x4;
	s7 =	sadd.s32 $0x31000, s26;
	[dreg:$0x4] =	wrdreg s6  }
0x10: {  	s24 =	simm.s32 $0x5;
	s1 =	smax.u32 s1, $0x1;
	[dreg:$0x5] =	wrdreg s7  }
0x11: {  	s6 =	sadd.s32 $0x31800, s26;
	[dreg:$0x7] =	wrdreg s1;
	s1 =	sadd.s32 $0xFFFFC000, s0  }
0x12: {  	s25 =	simm.s32 $0x6;
	s26 =	simm.s32 $0x7;
	[dreg:$0x6] =	wrdreg s6  }
.LBB2_5:
0x13: {  	_ =	swait.ge [sflag:s23], $0x4000  }
0x14: {  	[sflag:s23] =	ssyncset.done $0x0  }
0x15: {  	s0 =	rddreg [dreg:$0x5];
	[sflag:s23] =	ssyncadd.s32 $0xFFFFC000  }
0x16: {  	[hbm4b:s0+s3] =	stream.linear.scatter [tilespmem:s19], [sflag:$0x9], $0x4000, $0x38;
	[tilespmem:$0x1A400] =	vst v63  }
0x17: {  	_ =	swait.ge [sflag:s24], $0x4000  }
0x18: {  	[sflag:s24] =	ssyncset.done $0x0  }
0x19: {  	s11 =	rddreg [dreg:$0x6];
	[sflag:s24] =	ssyncadd.s32 $0xFFFFC000  }
0x1a: {  	[hbm4b:s11+s3] =	stream.linear.scatter [tilespmem:s21], [sflag:$0xA], $0x4000, $0x38;
	[tilespmem:$0x1A400] =	vst v63  }
0x1b: {  	_ =	swait.ge [sflag:s25], $0x4000  }
0x1c: {  	[sflag:s25] =	ssyncset.done $0x0  }
0x1d: {  	[sflag:s25] =	ssyncadd.s32 $0xFFFFC000  }
0x1e: {  	_ =	swait.ge [sflag:s26], $0x4000  }
0x1f: {  	[sflag:s26] =	ssyncset.done $0x0  }
0x20: {  	[sflag:s26] =	ssyncadd.s32 $0xFFFFC000  }
0x21: {  	_ =	swait.ge [sflag:s28], $0x4000  }
0x22: {  	[sflag:s28] =	ssyncset.done $0x0  }
0x23: {  	[sflag:s28] =	ssyncadd.s32 $0xFFFFC000  }
0x24: {  	_ =	swait.ge [sflag:s29], $0x4000  }
0x25: {  	[sflag:s29] =	ssyncset.done $0x0  }
0x26: {  	[sflag:s29] =	ssyncadd.s32 $0xFFFFC000  }
0x27: {  	_ =	swait.ge [sflag:s30], $0x4000  }
0x28: {  	s31 =	sadd.s32 $0x1, s31;
	s12 =	rddreg [dreg:$0x7]  }
0x29: {  	p0 =	sne.s32 s31, s12  }
.Ltmp1:
0x2a: {  	_ = 	snop;
	(pc) =	sbr.rel @!p0 .LBB2_6-.Ltmp1, $3  }
0x2b: {  	_ =	sdelay $0x1  }
0x2c: {  	[sflag:s30] =	ssyncset.done $0x0  }
0x2d: {  	[sflag:s30] =	ssyncadd.s32 $0xFFFFC000  }
.LBB2_1:
0x2e: {  	s0 =	rddreg [dreg:$0x3]  }
0x2f: {  	[tilespmem:s3], [sflag:$0xB] =	stream.linear.gather [hbm4b:s0+s3], $0x3200, $0x38;
	[tilespmem:$0x1A400] =	vst v63  }
.Ltmp2:
0x30: {  	s12 =	rddreg [dreg:$0x4];
	s6 =	simm.s32 $0x3200;
	(pc) =	sbr.rel .LBB2_2-.Ltmp2, $4  }
0x31: {  	[tilespmem:s6], [sflag:$0xB] =	stream.linear.gather [hbm4b:s12+s3], $0x3200, $0x38;
	[tilespmem:$0x1A400] =	vst v63  }
0x32: {  	_ =	swait.ge [sflag:s13], $0x3200  }
0x33: {  	s11 =	smov.u32 s1;
	s9 =	simm.s32 $0x0;
	[sflag:s13] =	ssyncset.done $0x0  }
0x34: {  	s0 =	simm.s32 $0x0;
	s6 =	simm.s32 $0x0;
	[sflag:s13] =	ssyncadd.s32 $0xFFFFCE00  }
.LBB2_3:
0x35: {  	p0 =	sne.s32 s6, $0xA  }
0x36: {  	s7 =	simm.s32 @!p0 $0xB  }
0x37: {  	_ =	swait.ge @!p0 [sflag:s7], $0x3200  }
0x38: {  	[sflag:s7] =	ssyncset.done @!p0 $0x0  }
0x39: {  	[sflag:s7] =	ssyncadd.s32 @!p0 $0xFFFFCE00  }
0x3a: {  	_ =	swait.ge [sflag:s25], $0x4000  }
0x3b: {  	[sflag:s25] =	ssyncset.done $0x0  }
0x3c: {  	[sflag:s25] =	ssyncadd.s32 $0xFFFFC000  }
0x3d: {  	[tilespmem:s14], [sflag:$0x1] =	stream.indirect.gather [hbm4b:s5+s16], $0x40, s0, s16, $0xb8;
	[tilespmem:$0x1A400] =	vst v63  }
0x3e: {  	s8 =	sadd.s32 $0xFFFFC000, s11;
	_ =	swait.ge [sflag:s23], $0x4000  }
0x3f: {  	s7 =	sshrl.u32 s8, $0x3;
	[sflag:s23] =	ssyncset.done $0x0  }
0x40: {  	s7 =	sadd.s32 s2, s7;
	[sflag:s23] =	ssyncadd.s32 $0xFFFFC000  }
0x41: {  	[hbm4b:s7+s3] =	stream.linear.scatter [tilespmem:s19], [sflag:$0x9], $0x4000, $0x38;
	[tilespmem:$0x1A400] =	vst v63  }
0x42: {  	_ =	swait.ge [sflag:s26], $0x4000  }
0x43: {  	[sflag:s26] =	ssyncset.done $0x0  }
0x44: {  	s10 =	sadd.s32 $0x100, s0;
	[sflag:s26] =	ssyncadd.s32 $0xFFFFC000  }
0x45: {  	[tilespmem:s15], [sflag:$0x2] =	stream.indirect.gather [hbm4b:s5+s16], $0x40, s10, s16, $0xb8;
	[tilespmem:$0x1A400] =	vst v63  }
0x46: {  	_ =	swait.ge [sflag:s24], $0x4000  }
0x47: {  	s12 =	sshrl.u32 s11, $0x3;
	[sflag:s24] =	ssyncset.done $0x0  }
0x48: {  	s7 =	sadd.s32 s2, s12;
	[sflag:s24] =	ssyncadd.s32 $0xFFFFC000  }
0x49: {  	[hbm4b:s7+s3] =	stream.linear.scatter [tilespmem:s21], [sflag:$0xA], $0x4000, $0x38;
	[tilespmem:$0x1A400] =	vst v63  }
0x4a: {  	_ =	swait.ge [sflag:s28], $0x4000  }
0x4b: {  	s8 =	sadd.s32 $0x100, s9;
	p0 =	por $0x0, $0x0;
	[sflag:s28] =	ssyncset.done $0x0  }
0x4c: {  	s12 =	smov.u32 s9;
	s7 =	smov.u32 s0;
	[sflag:s28] =	ssyncadd.s32 $0xFFFFC000  }
.LBB2_4:
0x4d: {  	s10 =	sadd.s32 $0x200, s12  }
0x4e: {  	[tilespmem:s17], [sflag:$0x3] =	stream.indirect.gather [hbm4b:s5+s16], $0x40, s10, s16, $0xb8;
	[tilespmem:$0x1A400] =	vst v63  }
0x4f: {  	s12 =	sadd.s32 s4, s12;
	_ =	swait.ge [sflag:s18], $0x4000  }
0x50: {  	s12 =	sshll.u32 s12, $0x3;
	[sflag:s18] =	ssyncset.done $0x0  }
0x51: {  	s12 =	sadd.s32 s2, s12;
	[sflag:s18] =	ssyncadd.s32 $0xFFFFC000  }
0x52: {  	[hbm4b:s12+s3] =	stream.linear.scatter [tilespmem:s14], [sflag:$0x6], $0x4000, $0x38;
	[tilespmem:$0x1A400] =	vst v63  }
0x53: {  	s12 =	simm.s32 @!p0 $0x9  }
0x54: {  	_ =	swait.ge @!p0 [sflag:s12], $0x4000  }
0x55: {  	[sflag:s12] =	ssyncset.done @!p0 $0x0  }
0x56: {  	s8 =	sadd.s32 s4, s8;
	[sflag:s12] =	ssyncadd.s32 @!p0 $0xFFFFC000;
	s12 =	sadd.s32 $0x300, s7  }
0x57: {  	[tilespmem:s19], [sflag:$0x4] =	stream.indirect.gather [hbm4b:s5+s16], $0x40, s12, s16, $0xb8;
	[tilespmem:$0x1A400] =	vst v63  }
0x58: {  	s8 =	sshll.u32 s8, $0x3;
	_ =	swait.ge [sflag:s20], $0x4000  }
0x59: {  	s8 =	sand.u32 $0x1FFFF800, s8;
	[sflag:s20] =	ssyncset.done $0x0  }
0x5a: {  	s8 =	sadd.s32 s2, s8;
	[sflag:s20] =	ssyncadd.s32 $0xFFFFC000  }
0x5b: {  	[hbm4b:s8+s3] =	stream.linear.scatter [tilespmem:s15], [sflag:$0x7], $0x4000, $0x38;
	[tilespmem:$0x1A400] =	vst v63  }
0x5c: {  	s8 =	simm.s32 @!p0 $0xA  }
0x5d: {  	_ =	swait.ge @!p0 [sflag:s8], $0x4000  }
0x5e: {  	s9 =	sadd.s32 $0x500, s9;
	[sflag:s8] =	ssyncset.done @!p0 $0x0  }
0x5f: {  	[sflag:s8] =	ssyncadd.s32 @!p0 $0xFFFFC000;
	s8 =	sadd.s32 $0x400, s7;
	p0 =	sne.s32 s9, $0x6400  }
0x60: {  	[tilespmem:s21], [sflag:$0x5] =	stream.indirect.gather [hbm4b:s5+s16], $0x40, s8, s16, $0xb8;
	[tilespmem:$0x1A400] =	vst v63  }
.Ltmp3:
0x61: {  	s12 =	sadd.s32 s4, s10;
	(pc) =	sbr.rel @!p0 .LBB2_5-.Ltmp3, $4  }
0x62: {  	s6 =	sadd.s32 $0x1, s6;
	s7 =	sshll.u32 s12, $0x3;
	_ =	swait.ge [sflag:s22], $0x4000  }
0x63: {  	s0 =	sadd.s32 $0x500, s0;
	s7 =	sand.u32 $0x1FFFF800, s7;
	[sflag:s22] =	ssyncset.done $0x0  }
0x64: {  	s11 =	sadd.s32 $0x14000, s11;
	s7 =	sadd.s32 s2, s7;
	[sflag:s22] =	ssyncadd.s32 $0xFFFFC000  }
0x65: {  	[hbm4b:s7+s3] =	stream.linear.scatter [tilespmem:s17], [sflag:$0x8], $0x4000, $0x38;
	[tilespmem:$0x1A400] =	vst v63  }
.LBB2_2:
0x66: {  	p0 =	seq.s32 s6, $0x0  }
.Ltmp4:
0x67: {  	_ = 	snop;
	(pc) =	sbr.rel @!p0 .LBB2_3-.Ltmp4, $1  }
0x68: {  	_ =	sdelay $0x3  }
.Ltmp5:
0x69: {  	(pc) =	sbr.rel .LBB2_4-.Ltmp5, $4  }
0x6a: {  	s8 =	simm.s32 $0x100;
	s12 =	simm.s32 $0x0  }
0x6b: {  	[tilespmem:s14], [sflag:$0x1] =	stream.indirect.gather [hbm4b:s5+s8], $0x40, s12, s8, $0xb8;
	[tilespmem:$0x1A400] =	vst v63  }
0x6c: {  	p0 =	por $0x1, $0x1;
	s7 =	simm.s32 $0x0  }
0x6d: {  	[tilespmem:s15], [sflag:$0x2] =	stream.indirect.gather [hbm4b:s5+s8], $0x40, s8, s8, $0xb8;
	[tilespmem:$0x1A400] =	vst v63  }
.LBB2_6:
0x6e: {  	_ =	sfence.sel $0x180000  }
0x6f: {  	[bflag:$0x0] =	sbarrier.arrive $0xFFFF  }
0x70: {  	_ =	strace $0x90000047  }
0x71: {  	s0 =	stileid.u32;
	[bflag:$0x2] =	sbarrier.arrive $0xFFFF  }
0x72: {  	p0 =	sne.s32 s0, $0x0;
	s0 =	rddreg [dreg:$0x2]  }
0x73: {  	s0 =	sadd.s32 @!p0 $0x100000, s0  }
0x74: {  	[sflag:s0] =	ssyncadd.tile.s32 @!p0 $0x1;
	_ =	shalt  }
.Lfunc_end2:
_tile_overlayer_lowered:
.L_overlay_start_2:
0x75: {  	(tag) =	ssettag $0x2  }
0x76: {  	s0 =	rddreg [dreg:$0x0];
	s2 =	stileid.u32  }
0x77: {  	s1 =	rddreg [dreg:$0x1];
	p0 =	sne.s32 s2, $0x0  }
0x78: {  	s3 =	rddreg [dreg:$0x2];
	[bflag:$0x3] =	sbarrier.arrive $0xFFFF;
	s2 =	simm.s32 @!p0 $0x1C0C  }
0x79: {  	[timem:s3], [sflag:s2] =	dma.local @!p0 [hbm:s0], s1  }
0x7a: {  	s0 =	simm.s32 @!p0 $0xC  }
0x7b: {  	_ =	swait.ge @!p0 [sflag:s0], s1  }
0x7c: {  	s1 =	ssub.s32 @!p0 $0x0, s1;
	[sflag:s0] =	ssyncset.done @!p0 $0x0  }
0x7d: {  	[sflag:s0] =	ssyncadd.s32 @!p0 s1  }
0x7e: {  	[bflag:$0x3] =	sbarrier.arrive $0xFFFF  }
0x7f: {  	_ =	shalt  }

// kernel: sparse-core-data-format-call.cloned.1.call-start
scs
called_computation_lowered:
.L_overlay_start_0:
0x0: {  	s2 =	sld [smem:$0x3FD9]  }
0x1: {  	s3 =	sld [smem:$0x3FFE];
	_ =	sdelay $0x1  }
0x2: {  	s1 =	srdreg.scid  }
0x3: {  	s0 =	sand.u32 $0x1, s1  }
0x4: {  	s18 =	sshll.u32 s0, $0xA;
	s2 =	sadd.s32 s3, s2  }
0x5: {  	s2 =	sadd.s32 s2, s18  }
0x6: {  	[smem:$0x3FC6] =	sst s2  }
0x7: {  	_ = 	snop  }
0x8: {  	s2 =	sld [smem:$0x3FD0];
	(tm) =	ssettm $0x1  }
0x9: {  	s19 =	sld [smem:$0x3FFB];
	_ =	sdelay $0x3  }
0xa: {  	_ =	strace s19  }
0xb: {  	s3 =	sld [smem:$0x3FFC];
	_ =	sdelay $0x3  }
0xc: {  	_ =	strace s3  }
0xd: {  	s3 =	sld [smem:$0x3FFD];
	_ =	sdelay $0x3  }
0xe: {  	_ =	strace s3  }
0xf: {  	_ =	strace $0x8FFFFFFF  }
0x10: {  	s20 =	sld [smem:$0x3FDB];
	_ =	sdelay $0x1  }
0x11: {  	s4 =	simm.s32 $_scs_section_size  }
0x12: {  	s5 =	simm.s32 $_size__tile_overlayer_lowered;
	s6 =	simm.s32 $_tile_overlayer_lowered  }
0x13: {  	s23 =	simm.s32 $0x1BFF;
	s22 =	sshll.u32 s6, $0x1;
	s3 =	sadd.s32 s4, s20  }
0x14: {  	s7 =	simm.s32 $0x0;
	s21 =	sshll.u32 s5, $0x1;
	s5 =	sadd.s32 s22, s3  }
0x15: {  	[timem:s7], [sflag:s23] =	dma.local [hbm:s5], s21  }
0x16: {  	_ =	swait.ge [sflag:s23], s21  }
0x17: {  	s4 =	ssub.s32 $0x0, s21;
	[sflag:s23] =	ssyncset.done $0x0  }
0x18: {  	[sflag:s23] =	ssyncadd.s32 s4;
	_ =	sdelay $0x1  }
0x19: {  	s24 =	simm.s32 $0x1B8B  }
0x1a: {  	_ =	swait.ge [sflag:s24], $0x1  }
0x1b: {  	[sflag:s24] =	ssyncset.done $0x0  }
0x1c: {  	s26 =	simm.s32 $0x1B8E;
	s25 =	sld [smem:$0x3FFE];
	[sflag:s24] =	ssyncadd.s32 $0xFFFFFFFF  }
0x1d: {  	s27 =	simm.s32 $execute0_lowered;
	[smem:$0x3FD2] =	sst s26  }
0x1e: {  	s5 =	sshll.u32 s27, $0x1;
	_ =	strace $0x80000049;
	[dreg:$0x1] =	wrdreg $0xFFFFFFFF  }
0x1f: {  	s28 =	simm.s32 $_size_execute0_lowered;
	s3 =	sadd.s32 s3, s5;
	[dreg:$0x0] =	wrdreg $0x0  }
0x20: {  	s5 =	sshll.u32 s28, $0x1;
	[dreg:$0x2] =	wrdreg s3  }
0x21: {  	[dreg:$0x3] =	wrdreg s5  }
0x22: {  	[dreg:$0x4] =	wrdreg $0xC0  }
0x23: {  	_ =	task [dreg:s7], $0x5FFFF  }
0x24: {  	[dreg:$0x1] =	wrdreg $0xFFFFFFFF  }
0x25: {  	[dreg:$0x0] =	wrdreg $0x60  }
0x26: {  	[dreg:$0x2] =	wrdreg s25  }
0x27: {  	[dreg:$0x3] =	wrdreg s2  }
0x28: {  	[dreg:$0x4] =	wrdreg $0x9  }
0x29: {  	_ =	task.clear_ibuf [dreg:s7], $0x5FFFF;
	_ =	strace $0x90000049  }
0x2a: {  	s29 =	simm.s32 $0x9;
	_ =	strace $0x8000004B  }
0x2b: {  	_ =	swait.ge [sflag:s29], $0x1  }
0x2c: {  	[sflag:s29] =	ssyncadd.s32 $0xFFFFFFFF  }
0x2d: {  	_ =	strace $0x9000004B  }
0x2e: {  	_ =	sfence  }
0x2f: {  	s30 =	sld [smem:$0x0];
	_ =	sdelay $0x2  }
0x30: {  	s31 =	sshll.u32 s1, $0xD;
	s1 =	sshrl.u32 s1, $0x2  }
0x31: {  	s3 =	sand.u32 $0x4000, s31;
	s1 =	sadd.s32 s1, s30  }
0x32: {  	s0 =	sor.u32 s3, s0;
	s1 =	sshll.u32 s1, $0x11  }
0x33: {  	s0 =	sor.u32 s1, s0  }
0x34: {  	s0 =	sadd.s32 $0x8F2B, s0  }
0x35: {  	[sflag:s0] =	ssyncadd.remote.s32 $0x1  }
0x36: {  	_ =	sfence.sel $0xFFFF  }
0x37: {  	[dreg:$0x0] =	wrdreg $0xFFFFFFFF;
	(pc) =	sbr.abs _section_cstart, $3  }
0x38: {  	[dreg:$0x1] =	wrdreg $0xFFFFFFFF  }
0x39: {  	_ =	task.clear_ibuf [dreg:s7], $0x2FFFF;
	_ =	strace $0x9FFFFFFF  }
0x3a: {  	(tm) =	ssettm $0x7FFFFFFF  }
0x3b: {  	_ =	shalt  }
tec
execute0_lowered:
.L_overlay_start_1:
0x0: {  	(tag) =	ssettag $0x1  }
0x1: {  	s0 =	srdreg.scid  }
0x2: {  	s1 =	sshll.u32 s0, $0x4  }
0x3: {  	s0 =	stileid.u32;
	s1 =	sand.u32 $0x10, s1  }
0x4: {  	s1 =	sor.u32 s0, s1  }
0x5: {  	s6 =	rddreg [dreg:$0x0];
	s4 =	simm.s32 $0x1;
	s2 =	sshll.u32 s1, $0x7  }
0x6: {  	s7 =	simm.s32 $0x2;
	s12 =	simm.s32 $0x0;
	s1 =	ssub.s32 $0x4000, s2  }
0x7: {  	s8 =	simm.s32 $0x20000;
	s13 =	simm.s32 $0x0;
	s3 =	sand.u32 $0xF80, s1  }
0x8: {  	s9 =	simm.s32 $0x0;
	s5 =	sshrl.u32 s1, $0xC;
	p0 =	sne.s32 s3, $0x0  }
.Ltmp0:
0x9: {  	s1 =	rddreg [dreg:$0x2];
	s4 =	simm.s32 @!p0 $0x0;
	(pc) =	sbr.rel .LBB1_1-.Ltmp0, $4  }
0xa: {  	s11 =	simm.s32 $0x0;
	s3 =	rddreg [dreg:$0x1];
	s5 =	sadd.s32 s4, s5  }
0xb: {  	_ =	strace $0x8000004A;
	s4 =	simm.s32 $0x1;
	s5 =	smul.u32 $0x32, s5  }
0xc: {  	s6 =	sadd.s32 $0xA00, s6;
	s10 =	smov.u32 s2;
	[sflag:s4] =	ssyncpa.u1 $0x0  }
0xd: {  	p0 =	por $0x0, $0x0;
	[sflag:s7] =	ssyncpa.u1 $0x0;
	s7 =	sor.u32 $0x1, s5  }
.LBB1_4:
0xe: {  	s16 =	sshll.u32 s13, $0x3;
	s17 =	sand.u32 $0x78, s13  }
0xf: {  	s30 =	sand.u32 $0x1F800, s13;
	s12 =	sshll.u32 s12, $0x11;
	s16 =	sand.u32 $0x3C00, s16  }
0x10: {  	[tilespmem:s15+$0x810 ss:$0x81] =	vst.msk $0xffff, v2;
	s31 =	sand.u32 $0x7, s13;
	s16 =	sor.u32 s17, s16;
	s17 =	sadd.s32 s3, s30  }
0x11: {  	[tilespmem:s15+$0x1020 ss:$0x81] =	vst.msk $0xffff, v0;
	s13 =	sshll.u32 s31, $0x12;
	s12 =	sadd.s32 s12, s17;
	s16 =	sshrl.u32 s16, $0x3  }
0x12: {  	[tilespmem:s15+$0x0 ss:$0x81] =	vst.msk $0xffff, v1;
	s13 =	sor.u32 $0x400, s13;
	s12 =	sadd.s32 s16, s12  }
0x13: {  	[hbm4b:s12+s13] =	stream.strided.scatter [tilespmem:s14], [sflag:$0x2], $0x2000, s8, s13, $0x20;
	[tilespmem:$0x8080] =	vst v63  }
.LBB1_5:
0x14: {  	s14 =	sadd.s32 $0x1, s9  }
0x15: {  	s12 =	sadd.s32 $0x1000, s10;
	s16 =	smov.u32 s10;
	p2 =	sgt.s32 s14, $0x31  }
0x16: {  	s16 =	smov.u32 @p2 s12  }
0x17: {  	s14 =	simm.s32 @p2 $0x0;
	p2 =	sgt.s32 s16, $0x3FFF  }
0x18: {  	s16 =	smov.u32 @p2 s2;
	p2 =	sne.s32 s11, s7  }
.Ltmp1:
0x19: {  	p1 =	slt.u32 s11, $0x2;
	(pc) =	sbr.rel @!p2 .LBB1_6-.Ltmp1, $4  }
0x1a: {  	s15 =	simm.s32 @!p1 $0x2  }
0x1b: {  	s13 =	smov.u32 s10;
	p0 =	por !p0, !p0;
	_ =	swait.ge @!p1 [sflag:s15], $0x2000  }
0x1c: {  	s12 =	smov.u32 s9;
	[sflag:s15] =	ssyncset.done @!p1 $0x0;
	s9 =	smov.u32 s14  }
0x1d: {  	s11 =	sadd.s32 $0x1, s11;
	[sflag:s15] =	ssyncadd.s32 @!p1 $0xFFFFE000;
	s10 =	smov.u32 s16  }
.LBB1_1:
0x1e: {  	p1 =	sge.u32 s11, s5  }
0x1f: {  	s14 =	sand.u32 @!p1 $0x1FFFFFF, s9  }
0x20: {  	s15 =	smulhi.u32 @!p1 $0x4924925, s14;
	_ =	sdelay $0x1  }
0x21: {  	s15 =	smul.u32 @!p1 $0x38, s15  }
0x22: {  	s16 =	sxor.u32 @!p1 $0xFFFFFFFF, s11;
	s17 =	smul.u32 @!p1 $0x380, s10  }
0x23: {  	s31 =	sadd.s32 $0xFFFFFFFF, s11;
	s16 =	sshll.u32 @!p1 s16, $0xD;
	s14 =	ssub.s32 @!p1 s14, s15  }
0x24: {  	s15 =	sand.u32 @!p1 $0x2000, s16;
	s16 =	sadd.s32 @!p1 s6, s17;
	s14 =	sshll.u32 @!p1 s14, $0x4  }
0x25: {  	s17 =	simm.s32 @!p1 $0x1C00;
	s14 =	sadd.s32 @!p1 s14, s16;
	s16 =	simm.s32 @!p1 $0x40  }
0x26: {  	[tilespmem:s15], [sflag:$0x1] =	stream.strided.gather @!p1 [hbm4b:s14+s16], $0x2000, s17, s16, $0x38;
	[tilespmem:$0x8080] =	vst v63  }
0x27: {  	p1 =	sge.u32 s31, s5  }
.Ltmp2:
0x28: {  	_ = 	snop;
	(pc) =	sbr.rel @p1 .LBB1_5-.Ltmp2, $1  }
0x29: {  	_ =	sdelay $0x3  }
0x2a: {  	s14 =	simm.s32 $0x1  }
0x2b: {  	_ =	swait.ge [sflag:s4], $0x2000;
	s14 =	simm.s32 @!p0 $0x0  }
0x2c: {  	[sflag:s4] =	ssyncset.done $0x0;
	s15 =	sshll.u32 s14, $0xD  }
0x2d: {  	[sflag:s4] =	ssyncadd.s32 $0xFFFFE000;
	s18 =	sor.u32 $0x20, s15  }
0x2e: {  	s14 =	smul.u32 $0x8100, s14;
	v3 =	vld [tilespmem:s18+$0x10]  }
0x2f: {  	s30 =	sand.u32 $0x1, s11;
	v2 =	vld [tilespmem:s18+$0xFFFFFFF0]  }
0x30: {  	s15 =	smul.u32 $0x8100, s30;
	s14 =	sshrl.u32 s14, $0x2;
	v0 =	vld [tilespmem:s18+$0x0]  }
0x31: {  	v1 =	vld [tilespmem:s18+$0xFFFFFFE0];
	s16 =	sor.u32 $0x4000, s14  }
0x32: {  	s31 =	sshrl.u32 s15, $0x2;
	s15 =	sadd.s32 $0x0, s16  }
0x33: {  	s17 =	simm.s32 $0x4;
	s18 =	sadd.s32 $0x40, s18;
	s14 =	sor.u32 $0x4000, s31;
	[tilespmem:s15+$0x1830 ss:$0x81] =	vst.msk $0xffff, v3  }
.LBB1_3:
0x34: {  	v3 =	vld [tilespmem:s18+$0x10];
	p1 =	sne.s32 s17, $0x1FC;
	[tilespmem:s15+$0x810 ss:$0x81] =	vst.msk $0xffff, v2;
	s19 =	smov.u32 s17;
	s17 =	sadd.s32 $0x4, s17  }
.Ltmp3:
0x35: {  	v2 =	vld [tilespmem:s18+$0xFFFFFFF0];
	[tilespmem:s15+$0x1020 ss:$0x81] =	vst.msk $0xffff, v0;
	(pc) =	sbr.rel @p1 .LBB1_3-.Ltmp3, $4  }
0x36: {  	v0 =	vld [tilespmem:s18+$0x0];
	[tilespmem:s15+$0x0 ss:$0x81] =	vst.msk $0xffff, v1  }
0x37: {  	s15 =	sshra.s32 s19, $0x2;
	v1 =	vld [tilespmem:s18+$0xFFFFFFE0]  }
0x38: {  	s15 =	sadd.s32 s15, s16  }
0x39: {  	s18 =	sadd.s32 $0x40, s18;
	[tilespmem:s15+$0x1830 ss:$0x81] =	vst.msk $0xffff, v3  }
.Ltmp4:
0x3a: {  	_ = 	snop;
	(pc) =	sbr.rel .LBB1_4-.Ltmp4, $1  }
0x3b: {  	_ =	sdelay $0x3  }
.LBB1_6:
0x3c: {  	_ =	sfence.sel $0x180000  }
0x3d: {  	s2 =	simm.s32 $0x1;
	[bflag:$0x0] =	sbarrier.arrive $0xFFFF  }
0x3e: {  	s31 =	simm.s32 $0x2;
	[sflag:s2] =	ssyncpa.u1 $0x1  }
0x3f: {  	[sflag:s31] =	ssyncpa.u1 $0x1  }
0x40: {  	p0 =	sne.s32 s0, $0x0;
	_ =	strace $0x9000004A  }
0x41: {  	s0 =	sadd.s32 @!p0 $0x100000, s1;
	[bflag:$0x2] =	sbarrier.arrive $0xFFFF  }
0x42: {  	[sflag:s0] =	ssyncadd.tile.s32 @!p0 $0x1;
	_ =	shalt  }
.Lfunc_end1:
_tile_overlayer_lowered:
.L_overlay_start_2:
0x43: {  	(tag) =	ssettag $0x2  }
0x44: {  	s0 =	rddreg [dreg:$0x0];
	s2 =	stileid.u32  }
0x45: {  	s1 =	rddreg [dreg:$0x1];
	p0 =	sne.s32 s2, $0x0  }
0x46: {  	s3 =	rddreg [dreg:$0x2];
	[bflag:$0x3] =	sbarrier.arrive $0xFFFF;
	s2 =	simm.s32 @!p0 $0x1C01  }
0x47: {  	[timem:s3], [sflag:s2] =	dma.local @!p0 [hbm:s0], s1  }
0x48: {  	s0 =	simm.s32 @!p0 $0x1  }
0x49: {  	_ =	swait.ge @!p0 [sflag:s0], s1  }
0x4a: {  	s1 =	ssub.s32 @!p0 $0x0, s1;
	[sflag:s0] =	ssyncset.done @!p0 $0x0  }
0x4b: {  	[sflag:s0] =	ssyncadd.s32 @!p0 s1  }
0x4c: {  	[bflag:$0x3] =	sbarrier.arrive $0xFFFF  }
0x4d: {  	_ =	shalt  }

</sc_bundles>
